<compile_context>
chip_gen: v7x
topology: tpu7x:2x2x1
jax: 0.10.2.dev20260603
libtpu: 0.0.44.dev20260713+nightly
codegen_flags: <defaults>
</compile_context>

<pallas_src>
import functools

import jax
import jax.numpy as jnp
from jax import lax
from jax.experimental import pallas as pl
from jax.experimental.pallas import tpu as pltpu
from jax.experimental.pallas import tpu_sc as plsc

NC = 2
NS = 16
NW = NC * NS

CHN = 128
RW = 16
JUNK = 256

_SC_PARAMS = pltpu.CompilerParams(use_tc_tiling_on_sc=False)
_HI = lax.Precision.HIGHEST


def _sc_edge_pass(table, gidx, sidx, nodes, nchunk):
    zch = 448
    zpt = nodes // zch // NS
    rpw = nchunk // NW
    rpl = 40
    outer = rpw // rpl
    nbuf = 5
    grps = rpl // nbuf
    mesh = plsc.VectorSubcoreMesh(core_axis_name="c", subcore_axis_name="s")

    @functools.partial(
        pl.kernel,
        out_type=jax.ShapeDtypeStruct((NC, nodes, RW), jnp.float32),
        mesh=mesh,
        scratch_types=[
            pltpu.VMEM((rpl, CHN), jnp.int32),
            pltpu.VMEM((rpl, CHN), jnp.int32),
            [pltpu.VMEM((CHN, RW), jnp.float32)] * nbuf,
            pltpu.VMEM((zch, RW), jnp.float32),
            pltpu.VMEM_SHARED((nodes, RW), jnp.float32),
            [pltpu.SemaphoreType.DMA] * nbuf,
            [pltpu.SemaphoreType.DMA] * nbuf,
        ],
        compiler_params=_SC_PARAMS,
    )
    def k(t16, g2, s2, out_hbm, gb, sb, rows, zbuf, acc, gsem, ssem):
        cid = lax.axis_index("c")
        sid = lax.axis_index("s")

        @pl.loop(0, zch)
        def _(i):
            zbuf[i, :] = jnp.zeros((RW,), jnp.float32)

        @pl.loop(0, zpt)
        def _(o):
            pltpu.sync_copy(zbuf, acc.at[pl.ds((sid * zpt + o) * zch, zch)])

        plsc.subcore_barrier()
        wid = cid * NS + sid

        @pl.loop(0, outer)
        def _(o):
            base = wid * rpw + o * rpl
            pltpu.sync_copy(g2.at[pl.ds(base, rpl)], gb)
            pltpu.sync_copy(s2.at[pl.ds(base, rpl)], sb)

            @pl.loop(0, grps)
            def _(g):
                not_first = (o > 0) | (g > 0)
                descs = []
                for b in range(nbuf):
                    @pl.when(not_first)
                    def _(b=b):
                        pltpu.make_async_copy(
                            t16.at[pl.ds(0, CHN)], rows[b], ssem[b]).wait()
                    descs.append(pltpu.async_copy(
                        t16.at[gb.at[g * nbuf + b]], rows[b], gsem[b]))
                for b in range(nbuf):
                    descs[b].wait()
                    pltpu.async_copy(rows[b], acc.at[sb.at[g * nbuf + b]],
                                     ssem[b], add=True)

        for b in range(nbuf):
            pltpu.make_async_copy(t16.at[pl.ds(0, CHN)], rows[b],
                                  ssem[b]).wait()

        plsc.subcore_barrier()

        @pl.when(sid == 0)
        def _():
            pltpu.sync_copy(acc, out_hbm.at[cid])

    return k(table, gidx, sidx)


def _tc_combine(partsl, rt, tile):
    rows = 1792

    def body(p_ref, r_ref):
        p = p_ref[...]
        v = p[0] + p[1]
        cnt = jnp.concatenate([v[:, 3:], v[:, :3]], axis=1)
        r = 1.0 / jnp.maximum(cnt, 1.0)
        col0 = lax.broadcasted_iota(jnp.int32, (rows, 128), 1) % RW == 0
        r_ref[...] = jnp.where(col0, r, 0.0)

    return pl.pallas_call(
        body,
        grid=(rt // rows,),
        in_specs=[pl.BlockSpec((NC, rows, 128), lambda i: (0, i, 0))],
        out_specs=pl.BlockSpec((rows, 128), lambda i: (i, 0)),
        out_shape=jax.ShapeDtypeStruct((rt, 128), jnp.float32),
    )(partsl)


def _tc_prep(x, nodes, tile):
    n = x.shape[0]
    nt = (n + tile - 1) // tile

    def body(x_ref, t_ref):
        xb = x_ref[...]
        t_ref[...] = jnp.concatenate(
            [xb, jnp.ones((tile, 1), jnp.float32),
             jnp.zeros((tile, RW - 4), jnp.float32)], axis=1)

    return pl.pallas_call(
        body,
        grid=(nt,),
        in_specs=[pl.BlockSpec((tile, 3), lambda i: (i, 0))],
        out_specs=pl.BlockSpec((tile, RW), lambda i: (i, 0)),
        out_shape=jax.ShapeDtypeStruct((nodes, RW), jnp.float32),
    )(x)


def _tc_final(partsl, xtlin, a2l, rlin, w32, w2l, w2r, b2, n, tile):
    rows = 448
    nt = (n * RW // 128 + rows - 1) // rows
    inv_n = 1.0 / n
    nrec = 128 // RW
    rtile = rows * 128 // RW

    def body(p_ref, x_ref, a_ref, r_ref, w32_ref, w2l_ref, w2r_ref, b2_ref,
             o_ref, acc_ref):
        i = pl.program_id(0)

        @pl.when(i == 0)
        def _():
            acc_ref[...] = jnp.zeros_like(acc_ref)

        p = p_ref[...]
        rl0 = r_ref[...]
        r1 = jnp.concatenate([rl0[:, 127:], rl0[:, :127]], axis=1)
        r2 = jnp.concatenate([rl0[:, 126:], rl0[:, :126]], axis=1)
        scale = rl0 + r1 + r2
        v1 = (p[0] + p[1]) * scale
        v2 = x_ref[...]
        aq = a_ref[...]
        al = aq[0] + aq[1]
        w = w32_ref[...]

        hs = jnp.zeros((rows, 128), jnp.float32)
        has = jnp.zeros((rows, 128), jnp.float32)
        for j in range(nrec):
            vj = jnp.concatenate(
                [v1[:, j * RW:(j + 1) * RW], v2[:, j * RW:(j + 1) * RW]],
                axis=1)
            hj = jnp.maximum(
                jnp.dot(vj, w, preferred_element_type=jnp.float32,
                        precision=_HI), 0.0)
            mj = (i * rtile + nrec * lax.broadcasted_iota(
                jnp.int32, (rows, 1), 0) + j) < n
            hj = jnp.where(mj, hj, 0.0)
            aj = jnp.where(mj, al[:, j * RW:j * RW + 1], 0.0)
            hs = hs + hj
            has = has + aj * hj

        acc_ref[0:1, :] += jnp.sum(has, axis=0, keepdims=True)
        acc_ref[1:2, :] += jnp.sum(hs, axis=0, keepdims=True)

        @pl.when(i == nt - 1)
        def _():
            sa = acc_ref[0:1, :] * inv_n
            sh = acc_ref[1:2, :] * inv_n
            o_ref[...] = (
                jnp.dot(sa, w2l_ref[...], preferred_element_type=jnp.float32,
                        precision=_HI)
                + jnp.dot(sh, w2r_ref[...], preferred_element_type=jnp.float32,
                          precision=_HI)
                + b2_ref[...]
            )

    hid = w2l.shape[0]
    out = w2l.shape[1]
    return pl.pallas_call(
        body,
        grid=(nt,),
        in_specs=[
            pl.BlockSpec((NC, rows, 128), lambda i: (0, i, 0)),
            pl.BlockSpec((rows, 128), lambda i: (i, 0)),
            pl.BlockSpec((NC, rows, 128), lambda i: (0, i, 0)),
            pl.BlockSpec((rows, 128), lambda i: (i, 0)),
            pl.BlockSpec((2 * RW, hid), lambda i: (0, 0)),
            pl.BlockSpec((hid, out), lambda i: (0, 0)),
            pl.BlockSpec((hid, out), lambda i: (0, 0)),
            pl.BlockSpec((1, out), lambda i: (0, 0)),
        ],
        out_specs=pl.BlockSpec((1, out), lambda i: (0, 0)),
        out_shape=jax.ShapeDtypeStruct((1, out), jnp.float32),
        scratch_shapes=[pltpu.VMEM((8, hid), jnp.float32)],
    )(partsl, xtlin, a2l, rlin, w32, w2l, w2r, b2)


@jax.jit
def kernel(x, edge_index, W1_l, b1, W1_r, W2_l, b2, W2_r):
    n = x.shape[0]
    e = edge_index.shape[1]
    tile = 2048

    epad = -e % (NW * CHN)
    ep = e + epad
    nchunk = ep // CHN
    junk = (n + (jnp.arange(epad, dtype=jnp.int32) % JUNK)).astype(jnp.int32)
    srcp = jnp.concatenate([edge_index[0], junk]).reshape(nchunk, CHN)
    dstp = jnp.concatenate([edge_index[1], junk]).reshape(nchunk, CHN)

    nblk = (n + tile - 1) // tile
    nodes = nblk * tile
    assert nodes >= n + JUNK and nodes % (448 * NS) == 0

    rt = nodes * RW // 128
    hid = W1_l.shape[0]
    w32 = jnp.zeros((2 * RW, hid), jnp.float32)
    w32 = w32.at[0:3].set(W1_l.T).at[RW:RW + 3].set(W1_r.T)
    w32 = w32.at[RW + 3].set(b1)

    xt16 = _tc_prep(x, nodes, tile)
    parts = _sc_edge_pass(xt16, srcp, dstp, nodes, nchunk)
    partsl = parts.reshape(NC, rt, 128)
    rlin = _tc_combine(partsl, rt, tile)
    a2 = _sc_edge_pass(rlin.reshape(nodes, RW), dstp, srcp, nodes, nchunk)
    out = _tc_final(partsl, xt16.reshape(rt, 128), a2.reshape(NC, rt, 128),
                    rlin, w32, W2_l.T, W2_r.T, b2[None, :], n, tile)
    return out.reshape(-1)

# --- scband reference (transcript-rebuilt; emitter-appended) ---
"""Pipeline reference for scband-pose-gnn-py-g-2181843386627 (READ-ONLY COPY).

The authoritative reference and input builder live on the scoring server;
editing this copy changes nothing except your own understanding.
"""

import jax, jax.numpy as jnp
import numpy as np

N = 100000
E = 1600000
IN_DIM = 3
HID = 128
OUT = 128


def _sage_conv(x, edge_index, W_l, b_l, W_r, num_nodes):
    # PyG SAGEConv with mean aggregation:
    # out = lin_l(mean_{j in N(i)} x_j) + lin_r(x_i)
    src = edge_index[0]
    dst = edge_index[1]
    msg = jnp.take(x, src, axis=0)                      # gather  [E, F]
    summed = jax.ops.segment_sum(msg, dst, num_segments=num_nodes)
    cnt = jax.ops.segment_sum(jnp.ones((msg.shape[0],), dtype=x.dtype), dst,
                              num_segments=num_nodes)
    mean = summed / jnp.clip(cnt, 1.0)[:, None]
    return mean @ W_l.T + b_l + x @ W_r.T


def setup_inputs(seed: int = 0) -> dict:
    key = jax.random.key(seed)
    ks = jax.random.split(key, 8)
    x = jax.random.normal(ks[0], (N, IN_DIM), dtype=jnp.float32)
    edge_index = jax.random.randint(ks[1], (2, E), 0, N, dtype=jnp.int32)
    s1 = 1.0 / np.sqrt(IN_DIM)
    s2 = 1.0 / np.sqrt(HID)
    W1_l = jax.random.uniform(ks[2], (HID, IN_DIM), jnp.float32, -s1, s1)
    W1_r = jax.random.uniform(ks[3], (HID, IN_DIM), jnp.float32, -s1, s1)
    b1 = jnp.zeros((HID,), dtype=jnp.float32)
    W2_l = jax.random.uniform(ks[4], (OUT, HID), jnp.float32, -s2, s2)
    W2_r = jax.random.uniform(ks[5], (OUT, HID), jnp.float32, -s2, s2)
    b2 = jnp.zeros((OUT,), dtype=jnp.float32)
    return {"x": x, "edge_index": edge_index,
            "W1_l": W1_l, "b1": b1, "W1_r": W1_r,
            "W2_l": W2_l, "b2": b2, "W2_r": W2_r}


def reference(x, edge_index, W1_l, b1, W1_r, W2_l, b2, W2_r):
    h = jax.nn.relu(_sage_conv(x, edge_index, W1_l, b1, W1_r, N))
    h = _sage_conv(h, edge_index, W2_l, b2, W2_r, N)
    return h.mean(axis=0)

if __name__ == "__main__":
    import jax
    _d = setup_inputs()
    print(jax.jit(kernel)(*tuple(_d.values())))

</pallas_src>

<mosaic_0001>
#map = affine_map<(d0, d1) -> (0, 0)>
#map1 = affine_map<(d0, d1) -> (0, 0, 0)>
module attributes {stable_mosaic.version = 14 : i64} {
  func.func @k(%arg0: i32, %arg1: i32, %arg2: memref<100352x16xf32, #tpu.memory_space<hbm>>, %arg3: memref<12512x128xi32, #tpu.memory_space<hbm>>, %arg4: memref<12512x128xi32, #tpu.memory_space<hbm>>, %arg5: memref<2x100352x16xf32, #tpu.memory_space<hbm>>, %arg6: memref<40x128xi32, #tpu.memory_space<vmem>>, %arg7: memref<40x128xi32, #tpu.memory_space<vmem>>, %arg8: memref<128x16xf32, #tpu.memory_space<vmem>>, %arg9: memref<128x16xf32, #tpu.memory_space<vmem>>, %arg10: memref<128x16xf32, #tpu.memory_space<vmem>>, %arg11: memref<128x16xf32, #tpu.memory_space<vmem>>, %arg12: memref<128x16xf32, #tpu.memory_space<vmem>>, %arg13: memref<448x16xf32, #tpu.memory_space<vmem>>, %arg14: memref<100352x16xf32, #tpu.memory_space<vmem_shared>>, %arg15: memref<!tpu.dma_semaphore, #tpu.memory_space<semaphore_mem>>, %arg16: memref<!tpu.dma_semaphore, #tpu.memory_space<semaphore_mem>>, %arg17: memref<!tpu.dma_semaphore, #tpu.memory_space<semaphore_mem>>, %arg18: memref<!tpu.dma_semaphore, #tpu.memory_space<semaphore_mem>>, %arg19: memref<!tpu.dma_semaphore, #tpu.memory_space<semaphore_mem>>, %arg20: memref<!tpu.dma_semaphore, #tpu.memory_space<semaphore_mem>>, %arg21: memref<!tpu.dma_semaphore, #tpu.memory_space<semaphore_mem>>, %arg22: memref<!tpu.dma_semaphore, #tpu.memory_space<semaphore_mem>>, %arg23: memref<!tpu.dma_semaphore, #tpu.memory_space<semaphore_mem>>, %arg24: memref<!tpu.dma_semaphore, #tpu.memory_space<semaphore_mem>>) attributes {dimension_semantics = [#tpu.dimension_semantics<core_parallel>, #tpu.dimension_semantics<subcore_parallel>], iteration_bounds = array<i64: 2, 16>, scalar_prefetch = 0 : i64, scratch_operands = 19 : i64, tpu.core_type = #tpu.core_type<sc_vector_subcore>, window_params = [{transform_indices = #map}, {transform_indices = #map}, {transform_indices = #map}, {transform_indices = #map1}]} {
    %scan3A = arith.constant 0 : i32
    %scan3A_0 = arith.constant 448 : i32
    %scan3A_1 = arith.addi %scan3A, %scan3A_0 : i32
    %scan3A_2 = arith.constant 1 : i32
    scf.for %scan3A_47 = %scan3A to %scan3A_1 step %scan3A_2  : i32 {
      %mul3A_48 = arith.constant 1 : i32
      %mul3A_49 = arith.muli %scan3A_47, %mul3A_48 : i32
      %add3A_50 = arith.constant 0 : i32
      %add3A_51 = arith.addi %add3A_50, %mul3A_49 : i32
      %broadcast_in_dim3A = arith.constant 0.000000e+00 : f32
      %broadcast_in_dim3A_52 = vector.broadcast %broadcast_in_dim3A : f32 to vector<16xf32>
      %swap3A = arith.index_cast %add3A_51 : i32 to index
      %swap3A_53 = arith.constant 0 : index
      %swap3A_54 = tpu.vector_load %arg13[%swap3A, %swap3A_53] {strides = array<i32>} : memref<448x16xf32, #tpu.memory_space<vmem>>, vector<1x16xf32>,
      %swap3A_55 = vector.shape_cast %swap3A_54 : vector<1x16xf32> to vector<16xf32>
      %swap3A_56 = vector.shape_cast %broadcast_in_dim3A_52 : vector<16xf32> to vector<1x16xf32>
      tpu.vector_store %arg13[%swap3A, %swap3A_53], %swap3A_56 {strides = array<i32>} : memref<448x16xf32, #tpu.memory_space<vmem>>, vector<1x16xf32>,
    }
    %scan3A_3 = arith.constant 448 : i32
    %scan3A_4 = arith.constant 0 : i32
    %scan3A_5 = arith.constant 14 : i32
    %scan3A_6 = arith.addi %scan3A_4, %scan3A_5 : i32
    %scan3A_7 = arith.constant 1 : i32
    scf.for %scan3A_47 = %scan3A_4 to %scan3A_6 step %scan3A_7  : i32 {
      %mul3A_48 = arith.constant 1 : i32
      %mul3A_49 = arith.muli %scan3A_47, %mul3A_48 : i32
      %add3A_50 = arith.constant 0 : i32
      %add3A_51 = arith.addi %add3A_50, %mul3A_49 : i32
      %mul3A_52 = arith.constant 14 : i32
      %mul3A_53 = arith.muli %arg1, %mul3A_52 : i32
      %add3A_54 = arith.addi %mul3A_53, %add3A_51 : i32
      %mul3A_55 = arith.constant 448 : i32
      %mul3A_56 = arith.muli %add3A_54, %mul3A_55 : i32
      "tpu.region"() ({
        %run_scoped3A = tpu.sem_alloc : memref<!tpu.dma_semaphore, #tpu.memory_space<semaphore_mem>>
        %dma_start3A = arith.constant 0 : i32
        %dma_start3A_57 = tpu.memref_slice %arg14[%mul3A_56, %dma_start3A] : memref<100352x16xf32, #tpu.memory_space<vmem_shared>> -> memref<448x16xf32, #tpu.memory_space<vmem_shared>>
        %dma_start3A_58 = arith.constant 0 : i32
        %dma_start3A_59 = tpu.memref_slice %arg14[%mul3A_56, %dma_start3A_58] : memref<100352x16xf32, #tpu.memory_space<vmem_shared>> -> memref<448x16xf32, #tpu.memory_space<vmem_shared>>
        tpu.enqueue_dma source(%arg13 : memref<448x16xf32, #tpu.memory_space<vmem>>) target(%dma_start3A_59 : memref<448x16xf32, #tpu.memory_space<vmem_shared>>) target_semaphore(%run_scoped3A : memref<!tpu.dma_semaphore, #tpu.memory_space<semaphore_mem>>)
        %dma_wait3A_60 = arith.constant 0 : i32
        %dma_wait3A_61 = tpu.memref_slice %arg14[%mul3A_56, %dma_wait3A_60] : memref<100352x16xf32, #tpu.memory_space<vmem_shared>> -> memref<448x16xf32, #tpu.memory_space<vmem_shared>>
        %dma_wait3A_62 = arith.constant 0 : i32
        %dma_wait3A_63 = tpu.memref_slice %arg14[%mul3A_56, %dma_wait3A_62] : memref<100352x16xf32, #tpu.memory_space<vmem_shared>> -> memref<448x16xf32, #tpu.memory_space<vmem_shared>>
        tpu.wait_dma2 semaphore(%run_scoped3A : memref<!tpu.dma_semaphore, #tpu.memory_space<semaphore_mem>>) src(%arg13 : memref<448x16xf32, #tpu.memory_space<vmem>>) dst(%dma_wait3A_63 : memref<448x16xf32, #tpu.memory_space<vmem_shared>>)
        tpu.yield
      }) : () -> ()
    }
    %scan3A_8 = arith.constant 14 : i32
    %barrier3A = arith.constant 0 : index
    tpu.barrier barrier_id(%barrier3A)
    %mul3A = arith.constant 16 : i32
    %mul3A_9 = arith.muli %arg0, %mul3A : i32
    %add3A = arith.addi %mul3A_9, %arg1 : i32
    %scan3A_10 = arith.constant 0 : i32
    %scan3A_11 = arith.constant 9 : i32
    %scan3A_12 = arith.addi %scan3A_10, %scan3A_11 : i32
    %scan3A_13 = arith.constant 1 : i32
    scf.for %scan3A_47 = %scan3A_10 to %scan3A_12 step %scan3A_13  : i32 {
      %mul3A_48 = arith.constant 1 : i32
      %mul3A_49 = arith.muli %scan3A_47, %mul3A_48 : i32
      %add3A_50 = arith.constant 0 : i32
      %add3A_51 = arith.addi %add3A_50, %mul3A_49 : i32
      %mul3A_52 = arith.constant 391 : i32
      %mul3A_53 = arith.muli %add3A, %mul3A_52 : i32
      %mul3A_54 = arith.constant 40 : i32
      %mul3A_55 = arith.muli %add3A_51, %mul3A_54 : i32
      %add3A_56 = arith.addi %mul3A_53, %mul3A_55 : i32
      "tpu.region"() ({
        %run_scoped3A = tpu.sem_alloc : memref<!tpu.dma_semaphore, #tpu.memory_space<semaphore_mem>>
        %dma_start3A = arith.constant 0 : i32
        %dma_start3A_62 = tpu.memref_slice %arg3[%add3A_56, %dma_start3A] : memref<12512x128xi32, #tpu.memory_space<hbm>> -> memref<40x128xi32, #tpu.memory_space<hbm>>
        %dma_start3A_63 = arith.constant 0 : i32
        %dma_start3A_64 = tpu.memref_slice %arg3[%add3A_56, %dma_start3A_63] : memref<12512x128xi32, #tpu.memory_space<hbm>> -> memref<40x128xi32, #tpu.memory_space<hbm>>
        tpu.enqueue_dma source(%dma_start3A_64 : memref<40x128xi32, #tpu.memory_space<hbm>>) target(%arg6 : memref<40x128xi32, #tpu.memory_space<vmem>>) target_semaphore(%run_scoped3A : memref<!tpu.dma_semaphore, #tpu.memory_space<semaphore_mem>>)
        %dma_wait3A_65 = arith.constant 0 : i32
        %dma_wait3A_66 = tpu.memref_slice %arg3[%add3A_56, %dma_wait3A_65] : memref<12512x128xi32, #tpu.memory_space<hbm>> -> memref<40x128xi32, #tpu.memory_space<hbm>>
        %dma_wait3A_67 = arith.constant 0 : i32
        %dma_wait3A_68 = tpu.memref_slice %arg3[%add3A_56, %dma_wait3A_67] : memref<12512x128xi32, #tpu.memory_space<hbm>> -> memref<40x128xi32, #tpu.memory_space<hbm>>
        tpu.wait_dma2 semaphore(%run_scoped3A : memref<!tpu.dma_semaphore, #tpu.memory_space<semaphore_mem>>) src(%dma_wait3A_68 : memref<40x128xi32, #tpu.memory_space<hbm>>) dst(%arg6 : memref<40x128xi32, #tpu.memory_space<vmem>>)
        tpu.yield
      }) : () -> ()
      "tpu.region"() ({
        %run_scoped3A = tpu.sem_alloc : memref<!tpu.dma_semaphore, #tpu.memory_space<semaphore_mem>>
        %dma_start3A = arith.constant 0 : i32
        %dma_start3A_62 = tpu.memref_slice %arg4[%add3A_56, %dma_start3A] : memref<12512x128xi32, #tpu.memory_space<hbm>> -> memref<40x128xi32, #tpu.memory_space<hbm>>
        %dma_start3A_63 = arith.constant 0 : i32
        %dma_start3A_64 = tpu.memref_slice %arg4[%add3A_56, %dma_start3A_63] : memref<12512x128xi32, #tpu.memory_space<hbm>> -> memref<40x128xi32, #tpu.memory_space<hbm>>
        tpu.enqueue_dma source(%dma_start3A_64 : memref<40x128xi32, #tpu.memory_space<hbm>>) target(%arg7 : memref<40x128xi32, #tpu.memory_space<vmem>>) target_semaphore(%run_scoped3A : memref<!tpu.dma_semaphore, #tpu.memory_space<semaphore_mem>>)
        %dma_wait3A_65 = arith.constant 0 : i32
        %dma_wait3A_66 = tpu.memref_slice %arg4[%add3A_56, %dma_wait3A_65] : memref<12512x128xi32, #tpu.memory_space<hbm>> -> memref<40x128xi32, #tpu.memory_space<hbm>>
        %dma_wait3A_67 = arith.constant 0 : i32
        %dma_wait3A_68 = tpu.memref_slice %arg4[%add3A_56, %dma_wait3A_67] : memref<12512x128xi32, #tpu.memory_space<hbm>> -> memref<40x128xi32, #tpu.memory_space<hbm>>
        tpu.wait_dma2 semaphore(%run_scoped3A : memref<!tpu.dma_semaphore, #tpu.memory_space<semaphore_mem>>) src(%dma_wait3A_68 : memref<40x128xi32, #tpu.memory_space<hbm>>) dst(%arg7 : memref<40x128xi32, #tpu.memory_space<vmem>>)
        tpu.yield
      }) : () -> ()
      %scan3A_57 = arith.constant 0 : i32
      %scan3A_58 = arith.constant 8 : i32
      %scan3A_59 = arith.addi %scan3A_57, %scan3A_58 : i32
      %scan3A_60 = arith.constant 1 : i32
      scf.for %scan3A_62 = %scan3A_57 to %scan3A_59 step %scan3A_60  : i32 {
        %mul3A_63 = arith.constant 1 : i32
        %mul3A_64 = arith.muli %scan3A_62, %mul3A_63 : i32
        %add3A_65 = arith.constant 0 : i32
        %add3A_66 = arith.addi %add3A_65, %mul3A_64 : i32
        %gt3A = arith.constant 0 : i32
        %gt3A_67 = arith.cmpi sgt, %add3A_51, %gt3A : i32
        %gt3A_68 = arith.constant 0 : i32
        %gt3A_69 = arith.cmpi sgt, %add3A_66, %gt3A_68 : i32
        %or3A = arith.ori %gt3A_67, %gt3A_69 : i1
        %convert_element_type3A_70 = arith.extui %or3A : i1 to i32
        %cond3A_71 = arith.constant 0 : i32
        %cond3A_72 = arith.cmpi ne, %convert_element_type3A_70, %cond3A_71 : i32
        scf.if %cond3A_72 {
          %dma_wait3A_214 = arith.constant 0 : i32
          %dma_wait3A_215 = arith.constant 0 : i32
          %dma_wait3A_216 = tpu.memref_slice %arg2[%dma_wait3A_214, %dma_wait3A_215] : memref<100352x16xf32, #tpu.memory_space<hbm>> -> memref<128x16xf32, #tpu.memory_space<hbm>>
          %dma_wait3A_217 = arith.constant 0 : i32
          %dma_wait3A_218 = arith.constant 0 : i32
          %dma_wait3A_219 = tpu.memref_slice %arg2[%dma_wait3A_217, %dma_wait3A_218] : memref<100352x16xf32, #tpu.memory_space<hbm>> -> memref<128x16xf32, #tpu.memory_space<hbm>>
          tpu.wait_dma2 semaphore(%arg20 : memref<!tpu.dma_semaphore, #tpu.memory_space<semaphore_mem>>) src(%dma_wait3A_219 : memref<128x16xf32, #tpu.memory_space<hbm>>) dst(%arg8 : memref<128x16xf32, #tpu.memory_space<vmem>>)
        } else {
        }
        %mul3A_73 = arith.constant 5 : i32
        %mul3A_74 = arith.muli %add3A_66, %mul3A_73 : i32
        %add3A_75 = arith.constant 0 : i32
        %add3A_76 = arith.addi %mul3A_74, %add3A_75 : i32
        %dma_start3A = arith.constant 0 : i32
        %dma_start3A_77 = tpu.memref_slice %arg6[%add3A_76, %dma_start3A] : memref<40x128xi32, #tpu.memory_space<vmem>> -> memref<1x128xi32, #tpu.memory_space<vmem>>
        %dma_start3A_78 = tpu.memref_squeeze %dma_start3A_77 : memref<1x128xi32, #tpu.memory_space<vmem>> -> memref<128xi32, #tpu.memory_space<vmem>>
        %dma_start3A_79 = arith.constant 0 : i32
        %dma_start3A_80 = arith.constant 0 : i32
        %dma_start3A_81 = tpu.memref_slice %arg2[%dma_start3A_79, %dma_start3A_80] : memref<100352x16xf32, #tpu.memory_space<hbm>> -> memref<100352x16xf32, #tpu.memory_space<hbm>>
        tpu.enqueue_indirect_dma source(%dma_start3A_81 : memref<100352x16xf32, #tpu.memory_space<hbm>>) target(%arg8 : memref<128x16xf32, #tpu.memory_space<vmem>>) offsets(%dma_start3A_78 : memref<128xi32, #tpu.memory_space<vmem>>) semaphore(%arg15 : memref<!tpu.dma_semaphore, #tpu.memory_space<semaphore_mem>>)
        %convert_element_type3A_82 = arith.extui %or3A : i1 to i32
        %cond3A_83 = arith.constant 0 : i32
        %cond3A_84 = arith.cmpi ne, %convert_element_type3A_82, %cond3A_83 : i32
        scf.if %cond3A_84 {
          %dma_wait3A_214 = arith.constant 0 : i32
          %dma_wait3A_215 = arith.constant 0 : i32
          %dma_wait3A_216 = tpu.memref_slice %arg2[%dma_wait3A_214, %dma_wait3A_215] : memref<100352x16xf32, #tpu.memory_space<hbm>> -> memref<128x16xf32, #tpu.memory_space<hbm>>
          %dma_wait3A_217 = arith.constant 0 : i32
          %dma_wait3A_218 = arith.constant 0 : i32
          %dma_wait3A_219 = tpu.memref_slice %arg2[%dma_wait3A_217, %dma_wait3A_218] : memref<100352x16xf32, #tpu.memory_space<hbm>> -> memref<128x16xf32, #tpu.memory_space<hbm>>
          tpu.wait_dma2 semaphore(%arg21 : memref<!tpu.dma_semaphore, #tpu.memory_space<semaphore_mem>>) src(%dma_wait3A_219 : memref<128x16xf32, #tpu.memory_space<hbm>>) dst(%arg9 : memref<128x16xf32, #tpu.memory_space<vmem>>)
        } else {
        }
        %mul3A_85 = arith.constant 5 : i32
        %mul3A_86 = arith.muli %add3A_66, %mul3A_85 : i32
        %add3A_87 = arith.constant 1 : i32
        %add3A_88 = arith.addi %mul3A_86, %add3A_87 : i32
        %dma_start3A_89 = arith.constant 0 : i32
        %dma_start3A_90 = tpu.memref_slice %arg6[%add3A_88, %dma_start3A_89] : memref<40x128xi32, #tpu.memory_space<vmem>> -> memref<1x128xi32, #tpu.memory_space<vmem>>
        %dma_start3A_91 = tpu.memref_squeeze %dma_start3A_90 : memref<1x128xi32, #tpu.memory_space<vmem>> -> memref<128xi32, #tpu.memory_space<vmem>>
        %dma_start3A_92 = arith.constant 0 : i32
        %dma_start3A_93 = arith.constant 0 : i32
        %dma_start3A_94 = tpu.memref_slice %arg2[%dma_start3A_92, %dma_start3A_93] : memref<100352x16xf32, #tpu.memory_space<hbm>> -> memref<100352x16xf32, #tpu.memory_space<hbm>>
        tpu.enqueue_indirect_dma source(%dma_start3A_94 : memref<100352x16xf32, #tpu.memory_space<hbm>>) target(%arg9 : memref<128x16xf32, #tpu.memory_space<vmem>>) offsets(%dma_start3A_91 : memref<128xi32, #tpu.memory_space<vmem>>) semaphore(%arg16 : memref<!tpu.dma_semaphore, #tpu.memory_space<semaphore_mem>>)
        %convert_element_type3A_95 = arith.extui %or3A : i1 to i32
        %cond3A_96 = arith.constant 0 : i32
        %cond3A_97 = arith.cmpi ne, %convert_element_type3A_95, %cond3A_96 : i32
        scf.if %cond3A_97 {
          %dma_wait3A_214 = arith.constant 0 : i32
          %dma_wait3A_215 = arith.constant 0 : i32
          %dma_wait3A_216 = tpu.memref_slice %arg2[%dma_wait3A_214, %dma_wait3A_215] : memref<100352x16xf32, #tpu.memory_space<hbm>> -> memref<128x16xf32, #tpu.memory_space<hbm>>
          %dma_wait3A_217 = arith.constant 0 : i32
          %dma_wait3A_218 = arith.constant 0 : i32
          %dma_wait3A_219 = tpu.memref_slice %arg2[%dma_wait3A_217, %dma_wait3A_218] : memref<100352x16xf32, #tpu.memory_space<hbm>> -> memref<128x16xf32, #tpu.memory_space<hbm>>
          tpu.wait_dma2 semaphore(%arg22 : memref<!tpu.dma_semaphore, #tpu.memory_space<semaphore_mem>>) src(%dma_wait3A_219 : memref<128x16xf32, #tpu.memory_space<hbm>>) dst(%arg10 : memref<128x16xf32, #tpu.memory_space<vmem>>)
        } else {
        }
        %mul3A_98 = arith.constant 5 : i32
        %mul3A_99 = arith.muli %add3A_66, %mul3A_98 : i32
        %add3A_100 = arith.constant 2 : i32
        %add3A_101 = arith.addi %mul3A_99, %add3A_100 : i32
        %dma_start3A_102 = arith.constant 0 : i32
        %dma_start3A_103 = tpu.memref_slice %arg6[%add3A_101, %dma_start3A_102] : memref<40x128xi32, #tpu.memory_space<vmem>> -> memref<1x128xi32, #tpu.memory_space<vmem>>
        %dma_start3A_104 = tpu.memref_squeeze %dma_start3A_103 : memref<1x128xi32, #tpu.memory_space<vmem>> -> memref<128xi32, #tpu.memory_space<vmem>>
        %dma_start3A_105 = arith.constant 0 : i32
        %dma_start3A_106 = arith.constant 0 : i32
        %dma_start3A_107 = tpu.memref_slice %arg2[%dma_start3A_105, %dma_start3A_106] : memref<100352x16xf32, #tpu.memory_space<hbm>> -> memref<100352x16xf32, #tpu.memory_space<hbm>>
        tpu.enqueue_indirect_dma source(%dma_start3A_107 : memref<100352x16xf32, #tpu.memory_space<hbm>>) target(%arg10 : memref<128x16xf32, #tpu.memory_space<vmem>>) offsets(%dma_start3A_104 : memref<128xi32, #tpu.memory_space<vmem>>) semaphore(%arg17 : memref<!tpu.dma_semaphore, #tpu.memory_space<semaphore_mem>>)
        %convert_element_type3A_108 = arith.extui %or3A : i1 to i32
        %cond3A_109 = arith.constant 0 : i32
        %cond3A_110 = arith.cmpi ne, %convert_element_type3A_108, %cond3A_109 : i32
        scf.if %cond3A_110 {
          %dma_wait3A_214 = arith.constant 0 : i32
          %dma_wait3A_215 = arith.constant 0 : i32
          %dma_wait3A_216 = tpu.memref_slice %arg2[%dma_wait3A_214, %dma_wait3A_215] : memref<100352x16xf32, #tpu.memory_space<hbm>> -> memref<128x16xf32, #tpu.memory_space<hbm>>
          %dma_wait3A_217 = arith.constant 0 : i32
          %dma_wait3A_218 = arith.constant 0 : i32
          %dma_wait3A_219 = tpu.memref_slice %arg2[%dma_wait3A_217, %dma_wait3A_218] : memref<100352x16xf32, #tpu.memory_space<hbm>> -> memref<128x16xf32, #tpu.memory_space<hbm>>
          tpu.wait_dma2 semaphore(%arg23 : memref<!tpu.dma_semaphore, #tpu.memory_space<semaphore_mem>>) src(%dma_wait3A_219 : memref<128x16xf32, #tpu.memory_space<hbm>>) dst(%arg11 : memref<128x16xf32, #tpu.memory_space<vmem>>)
        } else {
        }
        %mul3A_111 = arith.constant 5 : i32
        %mul3A_112 = arith.muli %add3A_66, %mul3A_111 : i32
        %add3A_113 = arith.constant 3 : i32
        %add3A_114 = arith.addi %mul3A_112, %add3A_113 : i32
        %dma_start3A_115 = arith.constant 0 : i32
        %dma_start3A_116 = tpu.memref_slice %arg6[%add3A_114, %dma_start3A_115] : memref<40x128xi32, #tpu.memory_space<vmem>> -> memref<1x128xi32, #tpu.memory_space<vmem>>
        %dma_start3A_117 = tpu.memref_squeeze %dma_start3A_116 : memref<1x128xi32, #tpu.memory_space<vmem>> -> memref<128xi32, #tpu.memory_space<vmem>>
        %dma_start3A_118 = arith.constant 0 : i32
        %dma_start3A_119 = arith.constant 0 : i32
        %dma_start3A_120 = tpu.memref_slice %arg2[%dma_start3A_118, %dma_start3A_119] : memref<100352x16xf32, #tpu.memory_space<hbm>> -> memref<100352x16xf32, #tpu.memory_space<hbm>>
        tpu.enqueue_indirect_dma source(%dma_start3A_120 : memref<100352x16xf32, #tpu.memory_space<hbm>>) target(%arg11 : memref<128x16xf32, #tpu.memory_space<vmem>>) offsets(%dma_start3A_117 : memref<128xi32, #tpu.memory_space<vmem>>) semaphore(%arg18 : memref<!tpu.dma_semaphore, #tpu.memory_space<semaphore_mem>>)
        %convert_element_type3A_121 = arith.extui %or3A : i1 to i32
        %cond3A_122 = arith.constant 0 : i32
        %cond3A_123 = arith.cmpi ne, %convert_element_type3A_121, %cond3A_122 : i32
        scf.if %cond3A_123 {
          %dma_wait3A_214 = arith.constant 0 : i32
          %dma_wait3A_215 = arith.constant 0 : i32
          %dma_wait3A_216 = tpu.memref_slice %arg2[%dma_wait3A_214, %dma_wait3A_215] : memref<100352x16xf32, #tpu.memory_space<hbm>> -> memref<128x16xf32, #tpu.memory_space<hbm>>
          %dma_wait3A_217 = arith.constant 0 : i32
          %dma_wait3A_218 = arith.constant 0 : i32
          %dma_wait3A_219 = tpu.memref_slice %arg2[%dma_wait3A_217, %dma_wait3A_218] : memref<100352x16xf32, #tpu.memory_space<hbm>> -> memref<128x16xf32, #tpu.memory_space<hbm>>
          tpu.wait_dma2 semaphore(%arg24 : memref<!tpu.dma_semaphore, #tpu.memory_space<semaphore_mem>>) src(%dma_wait3A_219 : memref<128x16xf32, #tpu.memory_space<hbm>>) dst(%arg12 : memref<128x16xf32, #tpu.memory_space<vmem>>)
        } else {
        }
        %mul3A_124 = arith.constant 5 : i32
        %mul3A_125 = arith.muli %add3A_66, %mul3A_124 : i32
        %add3A_126 = arith.constant 4 : i32
        %add3A_127 = arith.addi %mul3A_125, %add3A_126 : i32
        %dma_start3A_128 = arith.constant 0 : i32
        %dma_start3A_129 = tpu.memref_slice %arg6[%add3A_127, %dma_start3A_128] : memref<40x128xi32, #tpu.memory_space<vmem>> -> memref<1x128xi32, #tpu.memory_space<vmem>>
        %dma_start3A_130 = tpu.memref_squeeze %dma_start3A_129 : memref<1x128xi32, #tpu.memory_space<vmem>> -> memref<128xi32, #tpu.memory_space<vmem>>
        %dma_start3A_131 = arith.constant 0 : i32
        %dma_start3A_132 = arith.constant 0 : i32
        %dma_start3A_133 = tpu.memref_slice %arg2[%dma_start3A_131, %dma_start3A_132] : memref<100352x16xf32, #tpu.memory_space<hbm>> -> memref<100352x16xf32, #tpu.memory_space<hbm>>
        tpu.enqueue_indirect_dma source(%dma_start3A_133 : memref<100352x16xf32, #tpu.memory_space<hbm>>) target(%arg12 : memref<128x16xf32, #tpu.memory_space<vmem>>) offsets(%dma_start3A_130 : memref<128xi32, #tpu.memory_space<vmem>>) semaphore(%arg19 : memref<!tpu.dma_semaphore, #tpu.memory_space<semaphore_mem>>)
        %dma_wait3A_134 = arith.constant 0 : i32
        %dma_wait3A_135 = tpu.memref_slice %arg6[%add3A_76, %dma_wait3A_134] : memref<40x128xi32, #tpu.memory_space<vmem>> -> memref<1x128xi32, #tpu.memory_space<vmem>>
        %dma_wait3A_136 = tpu.memref_squeeze %dma_wait3A_135 : memref<1x128xi32, #tpu.memory_space<vmem>> -> memref<128xi32, #tpu.memory_space<vmem>>
        %dma_wait3A_137 = arith.constant 0 : i32
        %dma_wait3A_138 = arith.constant 0 : i32
        %dma_wait3A_139 = tpu.memref_slice %arg2[%dma_wait3A_137, %dma_wait3A_138] : memref<100352x16xf32, #tpu.memory_space<hbm>> -> memref<100352x16xf32, #tpu.memory_space<hbm>>
        tpu.wait_indirect_dma semaphore(%arg15 : memref<!tpu.dma_semaphore, #tpu.memory_space<semaphore_mem>>) src(%dma_wait3A_139 : memref<100352x16xf32, #tpu.memory_space<hbm>>) dst(%arg8 : memref<128x16xf32, #tpu.memory_space<vmem>>)
        %mul3A_140 = arith.constant 5 : i32
        %mul3A_141 = arith.muli %add3A_66, %mul3A_140 : i32
        %add3A_142 = arith.constant 0 : i32
        %add3A_143 = arith.addi %mul3A_141, %add3A_142 : i32
        %dma_start3A_144 = arith.constant 0 : i32
        %dma_start3A_145 = tpu.memref_slice %arg7[%add3A_143, %dma_start3A_144] : memref<40x128xi32, #tpu.memory_space<vmem>> -> memref<1x128xi32, #tpu.memory_space<vmem>>
        %dma_start3A_146 = tpu.memref_squeeze %dma_start3A_145 : memref<1x128xi32, #tpu.memory_space<vmem>> -> memref<128xi32, #tpu.memory_space<vmem>>
        %dma_start3A_147 = arith.constant 0 : i32
        %dma_start3A_148 = arith.constant 0 : i32
        %dma_start3A_149 = tpu.memref_slice %arg14[%dma_start3A_147, %dma_start3A_148] : memref<100352x16xf32, #tpu.memory_space<vmem_shared>> -> memref<100352x16xf32, #tpu.memory_space<vmem_shared>>
        tpu.enqueue_indirect_dma source(%arg8 : memref<128x16xf32, #tpu.memory_space<vmem>>) target(%dma_start3A_149 : memref<100352x16xf32, #tpu.memory_space<vmem_shared>>) offsets(%dma_start3A_146 : memref<128xi32, #tpu.memory_space<vmem>>) semaphore(%arg20 : memref<!tpu.dma_semaphore, #tpu.memory_space<semaphore_mem>>) {add = true}
        %dma_wait3A_150 = arith.constant 0 : i32
        %dma_wait3A_151 = tpu.memref_slice %arg6[%add3A_88, %dma_wait3A_150] : memref<40x128xi32, #tpu.memory_space<vmem>> -> memref<1x128xi32, #tpu.memory_space<vmem>>
        %dma_wait3A_152 = tpu.memref_squeeze %dma_wait3A_151 : memref<1x128xi32, #tpu.memory_space<vmem>> -> memref<128xi32, #tpu.memory_space<vmem>>
        %dma_wait3A_153 = arith.constant 0 : i32
        %dma_wait3A_154 = arith.constant 0 : i32
        %dma_wait3A_155 = tpu.memref_slice %arg2[%dma_wait3A_153, %dma_wait3A_154] : memref<100352x16xf32, #tpu.memory_space<hbm>> -> memref<100352x16xf32, #tpu.memory_space<hbm>>
        tpu.wait_indirect_dma semaphore(%arg16 : memref<!tpu.dma_semaphore, #tpu.memory_space<semaphore_mem>>) src(%dma_wait3A_155 : memref<100352x16xf32, #tpu.memory_space<hbm>>) dst(%arg9 : memref<128x16xf32, #tpu.memory_space<vmem>>)
        %mul3A_156 = arith.constant 5 : i32
        %mul3A_157 = arith.muli %add3A_66, %mul3A_156 : i32
        %add3A_158 = arith.constant 1 : i32
        %add3A_159 = arith.addi %mul3A_157, %add3A_158 : i32
        %dma_start3A_160 = arith.constant 0 : i32
        %dma_start3A_161 = tpu.memref_slice %arg7[%add3A_159, %dma_start3A_160] : memref<40x128xi32, #tpu.memory_space<vmem>> -> memref<1x128xi32, #tpu.memory_space<vmem>>
        %dma_start3A_162 = tpu.memref_squeeze %dma_start3A_161 : memref<1x128xi32, #tpu.memory_space<vmem>> -> memref<128xi32, #tpu.memory_space<vmem>>
        %dma_start3A_163 = arith.constant 0 : i32
        %dma_start3A_164 = arith.constant 0 : i32
        %dma_start3A_165 = tpu.memref_slice %arg14[%dma_start3A_163, %dma_start3A_164] : memref<100352x16xf32, #tpu.memory_space<vmem_shared>> -> memref<100352x16xf32, #tpu.memory_space<vmem_shared>>
        tpu.enqueue_indirect_dma source(%arg9 : memref<128x16xf32, #tpu.memory_space<vmem>>) target(%dma_start3A_165 : memref<100352x16xf32, #tpu.memory_space<vmem_shared>>) offsets(%dma_start3A_162 : memref<128xi32, #tpu.memory_space<vmem>>) semaphore(%arg21 : memref<!tpu.dma_semaphore, #tpu.memory_space<semaphore_mem>>) {add = true}
        %dma_wait3A_166 = arith.constant 0 : i32
        %dma_wait3A_167 = tpu.memref_slice %arg6[%add3A_101, %dma_wait3A_166] : memref<40x128xi32, #tpu.memory_space<vmem>> -> memref<1x128xi32, #tpu.memory_space<vmem>>
        %dma_wait3A_168 = tpu.memref_squeeze %dma_wait3A_167 : memref<1x128xi32, #tpu.memory_space<vmem>> -> memref<128xi32, #tpu.memory_space<vmem>>
        %dma_wait3A_169 = arith.constant 0 : i32
        %dma_wait3A_170 = arith.constant 0 : i32
        %dma_wait3A_171 = tpu.memref_slice %arg2[%dma_wait3A_169, %dma_wait3A_170] : memref<100352x16xf32, #tpu.memory_space<hbm>> -> memref<100352x16xf32, #tpu.memory_space<hbm>>
        tpu.wait_indirect_dma semaphore(%arg17 : memref<!tpu.dma_semaphore, #tpu.memory_space<semaphore_mem>>) src(%dma_wait3A_171 : memref<100352x16xf32, #tpu.memory_space<hbm>>) dst(%arg10 : memref<128x16xf32, #tpu.memory_space<vmem>>)
        %mul3A_172 = arith.constant 5 : i32
        %mul3A_173 = arith.muli %add3A_66, %mul3A_172 : i32
        %add3A_174 = arith.constant 2 : i32
        %add3A_175 = arith.addi %mul3A_173, %add3A_174 : i32
        %dma_start3A_176 = arith.constant 0 : i32
        %dma_start3A_177 = tpu.memref_slice %arg7[%add3A_175, %dma_start3A_176] : memref<40x128xi32, #tpu.memory_space<vmem>> -> memref<1x128xi32, #tpu.memory_space<vmem>>
        %dma_start3A_178 = tpu.memref_squeeze %dma_start3A_177 : memref<1x128xi32, #tpu.memory_space<vmem>> -> memref<128xi32, #tpu.memory_space<vmem>>
        %dma_start3A_179 = arith.constant 0 : i32
        %dma_start3A_180 = arith.constant 0 : i32
        %dma_start3A_181 = tpu.memref_slice %arg14[%dma_start3A_179, %dma_start3A_180] : memref<100352x16xf32, #tpu.memory_space<vmem_shared>> -> memref<100352x16xf32, #tpu.memory_space<vmem_shared>>
        tpu.enqueue_indirect_dma source(%arg10 : memref<128x16xf32, #tpu.memory_space<vmem>>) target(%dma_start3A_181 : memref<100352x16xf32, #tpu.memory_space<vmem_shared>>) offsets(%dma_start3A_178 : memref<128xi32, #tpu.memory_space<vmem>>) semaphore(%arg22 : memref<!tpu.dma_semaphore, #tpu.memory_space<semaphore_mem>>) {add = true}
        %dma_wait3A_182 = arith.constant 0 : i32
        %dma_wait3A_183 = tpu.memref_slice %arg6[%add3A_114, %dma_wait3A_182] : memref<40x128xi32, #tpu.memory_space<vmem>> -> memref<1x128xi32, #tpu.memory_space<vmem>>
        %dma_wait3A_184 = tpu.memref_squeeze %dma_wait3A_183 : memref<1x128xi32, #tpu.memory_space<vmem>> -> memref<128xi32, #tpu.memory_space<vmem>>
        %dma_wait3A_185 = arith.constant 0 : i32
        %dma_wait3A_186 = arith.constant 0 : i32
        %dma_wait3A_187 = tpu.memref_slice %arg2[%dma_wait3A_185, %dma_wait3A_186] : memref<100352x16xf32, #tpu.memory_space<hbm>> -> memref<100352x16xf32, #tpu.memory_space<hbm>>
        tpu.wait_indirect_dma semaphore(%arg18 : memref<!tpu.dma_semaphore, #tpu.memory_space<semaphore_mem>>) src(%dma_wait3A_187 : memref<100352x16xf32, #tpu.memory_space<hbm>>) dst(%arg11 : memref<128x16xf32, #tpu.memory_space<vmem>>)
        %mul3A_188 = arith.constant 5 : i32
        %mul3A_189 = arith.muli %add3A_66, %mul3A_188 : i32
        %add3A_190 = arith.constant 3 : i32
        %add3A_191 = arith.addi %mul3A_189, %add3A_190 : i32
        %dma_start3A_192 = arith.constant 0 : i32
        %dma_start3A_193 = tpu.memref_slice %arg7[%add3A_191, %dma_start3A_192] : memref<40x128xi32, #tpu.memory_space<vmem>> -> memref<1x128xi32, #tpu.memory_space<vmem>>
        %dma_start3A_194 = tpu.memref_squeeze %dma_start3A_193 : memref<1x128xi32, #tpu.memory_space<vmem>> -> memref<128xi32, #tpu.memory_space<vmem>>
        %dma_start3A_195 = arith.constant 0 : i32
        %dma_start3A_196 = arith.constant 0 : i32
        %dma_start3A_197 = tpu.memref_slice %arg14[%dma_start3A_195, %dma_start3A_196] : memref<100352x16xf32, #tpu.memory_space<vmem_shared>> -> memref<100352x16xf32, #tpu.memory_space<vmem_shared>>
        tpu.enqueue_indirect_dma source(%arg11 : memref<128x16xf32, #tpu.memory_space<vmem>>) target(%dma_start3A_197 : memref<100352x16xf32, #tpu.memory_space<vmem_shared>>) offsets(%dma_start3A_194 : memref<128xi32, #tpu.memory_space<vmem>>) semaphore(%arg23 : memref<!tpu.dma_semaphore, #tpu.memory_space<semaphore_mem>>) {add = true}
        %dma_wait3A_198 = arith.constant 0 : i32
        %dma_wait3A_199 = tpu.memref_slice %arg6[%add3A_127, %dma_wait3A_198] : memref<40x128xi32, #tpu.memory_space<vmem>> -> memref<1x128xi32, #tpu.memory_space<vmem>>
        %dma_wait3A_200 = tpu.memref_squeeze %dma_wait3A_199 : memref<1x128xi32, #tpu.memory_space<vmem>> -> memref<128xi32, #tpu.memory_space<vmem>>
        %dma_wait3A_201 = arith.constant 0 : i32
        %dma_wait3A_202 = arith.constant 0 : i32
        %dma_wait3A_203 = tpu.memref_slice %arg2[%dma_wait3A_201, %dma_wait3A_202] : memref<100352x16xf32, #tpu.memory_space<hbm>> -> memref<100352x16xf32, #tpu.memory_space<hbm>>
        tpu.wait_indirect_dma semaphore(%arg19 : memref<!tpu.dma_semaphore, #tpu.memory_space<semaphore_mem>>) src(%dma_wait3A_203 : memref<100352x16xf32, #tpu.memory_space<hbm>>) dst(%arg12 : memref<128x16xf32, #tpu.memory_space<vmem>>)
        %mul3A_204 = arith.constant 5 : i32
        %mul3A_205 = arith.muli %add3A_66, %mul3A_204 : i32
        %add3A_206 = arith.constant 4 : i32
        %add3A_207 = arith.addi %mul3A_205, %add3A_206 : i32
        %dma_start3A_208 = arith.constant 0 : i32
        %dma_start3A_209 = tpu.memref_slice %arg7[%add3A_207, %dma_start3A_208] : memref<40x128xi32, #tpu.memory_space<vmem>> -> memref<1x128xi32, #tpu.memory_space<vmem>>
        %dma_start3A_210 = tpu.memref_squeeze %dma_start3A_209 : memref<1x128xi32, #tpu.memory_space<vmem>> -> memref<128xi32, #tpu.memory_space<vmem>>
        %dma_start3A_211 = arith.constant 0 : i32
        %dma_start3A_212 = arith.constant 0 : i32
        %dma_start3A_213 = tpu.memref_slice %arg14[%dma_start3A_211, %dma_start3A_212] : memref<100352x16xf32, #tpu.memory_space<vmem_shared>> -> memref<100352x16xf32, #tpu.memory_space<vmem_shared>>
        tpu.enqueue_indirect_dma source(%arg12 : memref<128x16xf32, #tpu.memory_space<vmem>>) target(%dma_start3A_213 : memref<100352x16xf32, #tpu.memory_space<vmem_shared>>) offsets(%dma_start3A_210 : memref<128xi32, #tpu.memory_space<vmem>>) semaphore(%arg24 : memref<!tpu.dma_semaphore, #tpu.memory_space<semaphore_mem>>) {add = true}
      }
      %scan3A_61 = arith.constant 8 : i32
    }
    %scan3A_14 = arith.constant 9 : i32
    %dma_wait3A = arith.constant 0 : i32
    %dma_wait3A_15 = arith.constant 0 : i32
    %dma_wait3A_16 = tpu.memref_slice %arg2[%dma_wait3A, %dma_wait3A_15] : memref<100352x16xf32, #tpu.memory_space<hbm>> -> memref<128x16xf32, #tpu.memory_space<hbm>>
    %dma_wait3A_17 = arith.constant 0 : i32
    %dma_wait3A_18 = arith.constant 0 : i32
    %dma_wait3A_19 = tpu.memref_slice %arg2[%dma_wait3A_17, %dma_wait3A_18] : memref<100352x16xf32, #tpu.memory_space<hbm>> -> memref<128x16xf32, #tpu.memory_space<hbm>>
    tpu.wait_dma2 semaphore(%arg20 : memref<!tpu.dma_semaphore, #tpu.memory_space<semaphore_mem>>) src(%dma_wait3A_19 : memref<128x16xf32, #tpu.memory_space<hbm>>) dst(%arg8 : memref<128x16xf32, #tpu.memory_space<vmem>>)
    %dma_wait3A_20 = arith.constant 0 : i32
    %dma_wait3A_21 = arith.constant 0 : i32
    %dma_wait3A_22 = tpu.memref_slice %arg2[%dma_wait3A_20, %dma_wait3A_21] : memref<100352x16xf32, #tpu.memory_space<hbm>> -> memref<128x16xf32, #tpu.memory_space<hbm>>
    %dma_wait3A_23 = arith.constant 0 : i32
    %dma_wait3A_24 = arith.constant 0 : i32
    %dma_wait3A_25 = tpu.memref_slice %arg2[%dma_wait3A_23, %dma_wait3A_24] : memref<100352x16xf32, #tpu.memory_space<hbm>> -> memref<128x16xf32, #tpu.memory_space<hbm>>
    tpu.wait_dma2 semaphore(%arg21 : memref<!tpu.dma_semaphore, #tpu.memory_space<semaphore_mem>>) src(%dma_wait3A_25 : memref<128x16xf32, #tpu.memory_space<hbm>>) dst(%arg9 : memref<128x16xf32, #tpu.memory_space<vmem>>)
    %dma_wait3A_26 = arith.constant 0 : i32
    %dma_wait3A_27 = arith.constant 0 : i32
    %dma_wait3A_28 = tpu.memref_slice %arg2[%dma_wait3A_26, %dma_wait3A_27] : memref<100352x16xf32, #tpu.memory_space<hbm>> -> memref<128x16xf32, #tpu.memory_space<hbm>>
    %dma_wait3A_29 = arith.constant 0 : i32
    %dma_wait3A_30 = arith.constant 0 : i32
    %dma_wait3A_31 = tpu.memref_slice %arg2[%dma_wait3A_29, %dma_wait3A_30] : memref<100352x16xf32, #tpu.memory_space<hbm>> -> memref<128x16xf32, #tpu.memory_space<hbm>>
    tpu.wait_dma2 semaphore(%arg22 : memref<!tpu.dma_semaphore, #tpu.memory_space<semaphore_mem>>) src(%dma_wait3A_31 : memref<128x16xf32, #tpu.memory_space<hbm>>) dst(%arg10 : memref<128x16xf32, #tpu.memory_space<vmem>>)
    %dma_wait3A_32 = arith.constant 0 : i32
    %dma_wait3A_33 = arith.constant 0 : i32
    %dma_wait3A_34 = tpu.memref_slice %arg2[%dma_wait3A_32, %dma_wait3A_33] : memref<100352x16xf32, #tpu.memory_space<hbm>> -> memref<128x16xf32, #tpu.memory_space<hbm>>
    %dma_wait3A_35 = arith.constant 0 : i32
    %dma_wait3A_36 = arith.constant 0 : i32
    %dma_wait3A_37 = tpu.memref_slice %arg2[%dma_wait3A_35, %dma_wait3A_36] : memref<100352x16xf32, #tpu.memory_space<hbm>> -> memref<128x16xf32, #tpu.memory_space<hbm>>
    tpu.wait_dma2 semaphore(%arg23 : memref<!tpu.dma_semaphore, #tpu.memory_space<semaphore_mem>>) src(%dma_wait3A_37 : memref<128x16xf32, #tpu.memory_space<hbm>>) dst(%arg11 : memref<128x16xf32, #tpu.memory_space<vmem>>)
    %dma_wait3A_38 = arith.constant 0 : i32
    %dma_wait3A_39 = arith.constant 0 : i32
    %dma_wait3A_40 = tpu.memref_slice %arg2[%dma_wait3A_38, %dma_wait3A_39] : memref<100352x16xf32, #tpu.memory_space<hbm>> -> memref<128x16xf32, #tpu.memory_space<hbm>>
    %dma_wait3A_41 = arith.constant 0 : i32
    %dma_wait3A_42 = arith.constant 0 : i32
    %dma_wait3A_43 = tpu.memref_slice %arg2[%dma_wait3A_41, %dma_wait3A_42] : memref<100352x16xf32, #tpu.memory_space<hbm>> -> memref<128x16xf32, #tpu.memory_space<hbm>>
    tpu.wait_dma2 semaphore(%arg24 : memref<!tpu.dma_semaphore, #tpu.memory_space<semaphore_mem>>) src(%dma_wait3A_43 : memref<128x16xf32, #tpu.memory_space<hbm>>) dst(%arg12 : memref<128x16xf32, #tpu.memory_space<vmem>>)
    %barrier3A_44 = arith.constant 0 : index
    tpu.barrier barrier_id(%barrier3A_44)
    %eq3A = arith.constant 0 : i32
    %eq3A_45 = arith.cmpi eq, %arg1, %eq3A : i32
    %convert_element_type3A = arith.extui %eq3A_45 : i1 to i32
    %cond3A = arith.constant 0 : i32
    %cond3A_46 = arith.cmpi ne, %convert_element_type3A, %cond3A : i32
    scf.if %cond3A_46 {
      "tpu.region"() ({
        %run_scoped3A = tpu.sem_alloc : memref<!tpu.dma_semaphore, #tpu.memory_space<semaphore_mem>>
        %dma_start3A = arith.constant 0 : i32
        %dma_start3A_47 = arith.constant 0 : i32
        %dma_start3A_48 = tpu.memref_slice %arg5[%arg0, %dma_start3A, %dma_start3A_47] : memref<2x100352x16xf32, #tpu.memory_space<hbm>> -> memref<1x100352x16xf32, #tpu.memory_space<hbm>>
        %dma_start3A_49 = tpu.memref_squeeze %dma_start3A_48 : memref<1x100352x16xf32, #tpu.memory_space<hbm>> -> memref<100352x16xf32, #tpu.memory_space<hbm>>
        tpu.enqueue_dma source(%arg14 : memref<100352x16xf32, #tpu.memory_space<vmem_shared>>) target(%dma_start3A_49 : memref<100352x16xf32, #tpu.memory_space<hbm>>) target_semaphore(%run_scoped3A : memref<!tpu.dma_semaphore, #tpu.memory_space<semaphore_mem>>)
        %dma_wait3A_50 = arith.constant 0 : i32
        %dma_wait3A_51 = arith.constant 0 : i32
        %dma_wait3A_52 = tpu.memref_slice %arg5[%arg0, %dma_wait3A_50, %dma_wait3A_51] : memref<2x100352x16xf32, #tpu.memory_space<hbm>> -> memref<1x100352x16xf32, #tpu.memory_space<hbm>>
        %dma_wait3A_53 = tpu.memref_squeeze %dma_wait3A_52 : memref<1x100352x16xf32, #tpu.memory_space<hbm>> -> memref<100352x16xf32, #tpu.memory_space<hbm>>
        tpu.wait_dma2 semaphore(%run_scoped3A : memref<!tpu.dma_semaphore, #tpu.memory_space<semaphore_mem>>) src(%arg14 : memref<100352x16xf32, #tpu.memory_space<vmem_shared>>) dst(%dma_wait3A_53 : memref<100352x16xf32, #tpu.memory_space<hbm>>)
        tpu.yield
      }) : () -> ()
    } else {
    }
    return
  }
}

#map = affine_map<(d0, d1) -> (0, 0)>
#map1 = affine_map<(d0, d1) -> (0, 0, 0)>
module attributes {stable_mosaic.version = 14 : i64} {
  func.func @k(%arg0: i32, %arg1: i32, %arg2: memref<100352x16xf32, #tpu.memory_space<hbm>>, %arg3: memref<12512x128xi32, #tpu.memory_space<hbm>>, %arg4: memref<12512x128xi32, #tpu.memory_space<hbm>>, %arg5: memref<2x100352x16xf32, #tpu.memory_space<hbm>>, %arg6: memref<40x128xi32, #tpu.memory_space<vmem>>, %arg7: memref<40x128xi32, #tpu.memory_space<vmem>>, %arg8: memref<128x16xf32, #tpu.memory_space<vmem>>, %arg9: memref<128x16xf32, #tpu.memory_space<vmem>>, %arg10: memref<128x16xf32, #tpu.memory_space<vmem>>, %arg11: memref<128x16xf32, #tpu.memory_space<vmem>>, %arg12: memref<128x16xf32, #tpu.memory_space<vmem>>, %arg13: memref<448x16xf32, #tpu.memory_space<vmem>>, %arg14: memref<100352x16xf32, #tpu.memory_space<vmem_shared>>, %arg15: memref<!tpu.dma_semaphore, #tpu.memory_space<semaphore_mem>>, %arg16: memref<!tpu.dma_semaphore, #tpu.memory_space<semaphore_mem>>, %arg17: memref<!tpu.dma_semaphore, #tpu.memory_space<semaphore_mem>>, %arg18: memref<!tpu.dma_semaphore, #tpu.memory_space<semaphore_mem>>, %arg19: memref<!tpu.dma_semaphore, #tpu.memory_space<semaphore_mem>>, %arg20: memref<!tpu.dma_semaphore, #tpu.memory_space<semaphore_mem>>, %arg21: memref<!tpu.dma_semaphore, #tpu.memory_space<semaphore_mem>>, %arg22: memref<!tpu.dma_semaphore, #tpu.memory_space<semaphore_mem>>, %arg23: memref<!tpu.dma_semaphore, #tpu.memory_space<semaphore_mem>>, %arg24: memref<!tpu.dma_semaphore, #tpu.memory_space<semaphore_mem>>) attributes {dimension_semantics = [#tpu.dimension_semantics<core_parallel>, #tpu.dimension_semantics<subcore_parallel>], iteration_bounds = array<i64: 2, 16>, scalar_prefetch = 0 : i64, scratch_operands = 19 : i64, tpu.core_type = #tpu.core_type<sc_vector_subcore>, window_params = [{transform_indices = #map}, {transform_indices = #map}, {transform_indices = #map}, {transform_indices = #map1}]} {
    %scan3A = arith.constant 0 : i32
    %scan3A_0 = arith.constant 448 : i32
    %scan3A_1 = arith.addi %scan3A, %scan3A_0 : i32
    %scan3A_2 = arith.constant 1 : i32
    scf.for %scan3A_47 = %scan3A to %scan3A_1 step %scan3A_2  : i32 {
      %mul3A_48 = arith.constant 1 : i32
      %mul3A_49 = arith.muli %scan3A_47, %mul3A_48 : i32
      %add3A_50 = arith.constant 0 : i32
      %add3A_51 = arith.addi %add3A_50, %mul3A_49 : i32
      %broadcast_in_dim3A = arith.constant 0.000000e+00 : f32
      %broadcast_in_dim3A_52 = vector.broadcast %broadcast_in_dim3A : f32 to vector<16xf32>
      %swap3A = arith.index_cast %add3A_51 : i32 to index
      %swap3A_53 = arith.constant 0 : index
      %swap3A_54 = tpu.vector_load %arg13[%swap3A, %swap3A_53] {strides = array<i32>} : memref<448x16xf32, #tpu.memory_space<vmem>>, vector<1x16xf32>,
      %swap3A_55 = vector.shape_cast %swap3A_54 : vector<1x16xf32> to vector<16xf32>
      %swap3A_56 = vector.shape_cast %broadcast_in_dim3A_52 : vector<16xf32> to vector<1x16xf32>
      tpu.vector_store %arg13[%swap3A, %swap3A_53], %swap3A_56 {strides = array<i32>} : memref<448x16xf32, #tpu.memory_space<vmem>>, vector<1x16xf32>,
    }
    %scan3A_3 = arith.constant 448 : i32
    %scan3A_4 = arith.constant 0 : i32
    %scan3A_5 = arith.constant 14 : i32
    %scan3A_6 = arith.addi %scan3A_4, %scan3A_5 : i32
    %scan3A_7 = arith.constant 1 : i32
    scf.for %scan3A_47 = %scan3A_4 to %scan3A_6 step %scan3A_7  : i32 {
      %mul3A_48 = arith.constant 1 : i32
      %mul3A_49 = arith.muli %scan3A_47, %mul3A_48 : i32
      %add3A_50 = arith.constant 0 : i32
      %add3A_51 = arith.addi %add3A_50, %mul3A_49 : i32
      %mul3A_52 = arith.constant 14 : i32
      %mul3A_53 = arith.muli %arg1, %mul3A_52 : i32
      %add3A_54 = arith.addi %mul3A_53, %add3A_51 : i32
      %mul3A_55 = arith.constant 448 : i32
      %mul3A_56 = arith.muli %add3A_54, %mul3A_55 : i32
      "tpu.region"() ({
        %run_scoped3A = tpu.sem_alloc : memref<!tpu.dma_semaphore, #tpu.memory_space<semaphore_mem>>
        %dma_start3A = arith.constant 0 : i32
        %dma_start3A_57 = tpu.memref_slice %arg14[%mul3A_56, %dma_start3A] : memref<100352x16xf32, #tpu.memory_space<vmem_shared>> -> memref<448x16xf32, #tpu.memory_space<vmem_shared>>
        %dma_start3A_58 = arith.constant 0 : i32
        %dma_start3A_59 = tpu.memref_slice %arg14[%mul3A_56, %dma_start3A_58] : memref<100352x16xf32, #tpu.memory_space<vmem_shared>> -> memref<448x16xf32, #tpu.memory_space<vmem_shared>>
        tpu.enqueue_dma source(%arg13 : memref<448x16xf32, #tpu.memory_space<vmem>>) target(%dma_start3A_59 : memref<448x16xf32, #tpu.memory_space<vmem_shared>>) target_semaphore(%run_scoped3A : memref<!tpu.dma_semaphore, #tpu.memory_space<semaphore_mem>>)
        %dma_wait3A_60 = arith.constant 0 : i32
        %dma_wait3A_61 = tpu.memref_slice %arg14[%mul3A_56, %dma_wait3A_60] : memref<100352x16xf32, #tpu.memory_space<vmem_shared>> -> memref<448x16xf32, #tpu.memory_space<vmem_shared>>
        %dma_wait3A_62 = arith.constant 0 : i32
        %dma_wait3A_63 = tpu.memref_slice %arg14[%mul3A_56, %dma_wait3A_62] : memref<100352x16xf32, #tpu.memory_space<vmem_shared>> -> memref<448x16xf32, #tpu.memory_space<vmem_shared>>
        tpu.wait_dma2 semaphore(%run_scoped3A : memref<!tpu.dma_semaphore, #tpu.memory_space<semaphore_mem>>) src(%arg13 : memref<448x16xf32, #tpu.memory_space<vmem>>) dst(%dma_wait3A_63 : memref<448x16xf32, #tpu.memory_space<vmem_shared>>)
        tpu.yield
      }) : () -> ()
    }
    %scan3A_8 = arith.constant 14 : i32
    %barrier3A = arith.constant 0 : index
    tpu.barrier barrier_id(%barrier3A)
    %mul3A = arith.constant 16 : i32
    %mul3A_9 = arith.muli %arg0, %mul3A : i32
    %add3A = arith.addi %mul3A_9, %arg1 : i32
    %scan3A_10 = arith.constant 0 : i32
    %scan3A_11 = arith.constant 9 : i32
    %scan3A_12 = arith.addi %scan3A_10, %scan3A_11 : i32
    %scan3A_13 = arith.constant 1 : i32
    scf.for %scan3A_47 = %scan3A_10 to %scan3A_12 step %scan3A_13  : i32 {
      %mul3A_48 = arith.constant 1 : i32
      %mul3A_49 = arith.muli %scan3A_47, %mul3A_48 : i32
      %add3A_50 = arith.constant 0 : i32
      %add3A_51 = arith.addi %add3A_50, %mul3A_49 : i32
      %mul3A_52 = arith.constant 391 : i32
      %mul3A_53 = arith.muli %add3A, %mul3A_52 : i32
      %mul3A_54 = arith.constant 40 : i32
      %mul3A_55 = arith.muli %add3A_51, %mul3A_54 : i32
      %add3A_56 = arith.addi %mul3A_53, %mul3A_55 : i32
      "tpu.region"() ({
        %run_scoped3A = tpu.sem_alloc : memref<!tpu.dma_semaphore, #tpu.memory_space<semaphore_mem>>
        %dma_start3A = arith.constant 0 : i32
        %dma_start3A_62 = tpu.memref_slice %arg3[%add3A_56, %dma_start3A] : memref<12512x128xi32, #tpu.memory_space<hbm>> -> memref<40x128xi32, #tpu.memory_space<hbm>>
        %dma_start3A_63 = arith.constant 0 : i32
        %dma_start3A_64 = tpu.memref_slice %arg3[%add3A_56, %dma_start3A_63] : memref<12512x128xi32, #tpu.memory_space<hbm>> -> memref<40x128xi32, #tpu.memory_space<hbm>>
        tpu.enqueue_dma source(%dma_start3A_64 : memref<40x128xi32, #tpu.memory_space<hbm>>) target(%arg6 : memref<40x128xi32, #tpu.memory_space<vmem>>) target_semaphore(%run_scoped3A : memref<!tpu.dma_semaphore, #tpu.memory_space<semaphore_mem>>)
        %dma_wait3A_65 = arith.constant 0 : i32
        %dma_wait3A_66 = tpu.memref_slice %arg3[%add3A_56, %dma_wait3A_65] : memref<12512x128xi32, #tpu.memory_space<hbm>> -> memref<40x128xi32, #tpu.memory_space<hbm>>
        %dma_wait3A_67 = arith.constant 0 : i32
        %dma_wait3A_68 = tpu.memref_slice %arg3[%add3A_56, %dma_wait3A_67] : memref<12512x128xi32, #tpu.memory_space<hbm>> -> memref<40x128xi32, #tpu.memory_space<hbm>>
        tpu.wait_dma2 semaphore(%run_scoped3A : memref<!tpu.dma_semaphore, #tpu.memory_space<semaphore_mem>>) src(%dma_wait3A_68 : memref<40x128xi32, #tpu.memory_space<hbm>>) dst(%arg6 : memref<40x128xi32, #tpu.memory_space<vmem>>)
        tpu.yield
      }) : () -> ()
      "tpu.region"() ({
        %run_scoped3A = tpu.sem_alloc : memref<!tpu.dma_semaphore, #tpu.memory_space<semaphore_mem>>
        %dma_start3A = arith.constant 0 : i32
        %dma_start3A_62 = tpu.memref_slice %arg4[%add3A_56, %dma_start3A] : memref<12512x128xi32, #tpu.memory_space<hbm>> -> memref<40x128xi32, #tpu.memory_space<hbm>>
        %dma_start3A_63 = arith.constant 0 : i32
        %dma_start3A_64 = tpu.memref_slice %arg4[%add3A_56, %dma_start3A_63] : memref<12512x128xi32, #tpu.memory_space<hbm>> -> memref<40x128xi32, #tpu.memory_space<hbm>>
        tpu.enqueue_dma source(%dma_start3A_64 : memref<40x128xi32, #tpu.memory_space<hbm>>) target(%arg7 : memref<40x128xi32, #tpu.memory_space<vmem>>) target_semaphore(%run_scoped3A : memref<!tpu.dma_semaphore, #tpu.memory_space<semaphore_mem>>)
        %dma_wait3A_65 = arith.constant 0 : i32
        %dma_wait3A_66 = tpu.memref_slice %arg4[%add3A_56, %dma_wait3A_65] : memref<12512x128xi32, #tpu.memory_space<hbm>> -> memref<40x128xi32, #tpu.memory_space<hbm>>
        %dma_wait3A_67 = arith.constant 0 : i32
        %dma_wait3A_68 = tpu.memref_slice %arg4[%add3A_56, %dma_wait3A_67] : memref<12512x128xi32, #tpu.memory_space<hbm>> -> memref<40x128xi32, #tpu.memory_space<hbm>>
        tpu.wait_dma2 semaphore(%run_scoped3A : memref<!tpu.dma_semaphore, #tpu.memory_space<semaphore_mem>>) src(%dma_wait3A_68 : memref<40x128xi32, #tpu.memory_space<hbm>>) dst(%arg7 : memref<40x128xi32, #tpu.memory_space<vmem>>)
        tpu.yield
      }) : () -> ()
      %scan3A_57 = arith.constant 0 : i32
      %scan3A_58 = arith.constant 8 : i32
      %scan3A_59 = arith.addi %scan3A_57, %scan3A_58 : i32
      %scan3A_60 = arith.constant 1 : i32
      scf.for %scan3A_62 = %scan3A_57 to %scan3A_59 step %scan3A_60  : i32 {
        %mul3A_63 = arith.constant 1 : i32
        %mul3A_64 = arith.muli %scan3A_62, %mul3A_63 : i32
        %add3A_65 = arith.constant 0 : i32
        %add3A_66 = arith.addi %add3A_65, %mul3A_64 : i32
        %gt3A = arith.constant 0 : i32
        %gt3A_67 = arith.cmpi sgt, %add3A_51, %gt3A : i32
        %gt3A_68 = arith.constant 0 : i32
        %gt3A_69 = arith.cmpi sgt, %add3A_66, %gt3A_68 : i32
        %or3A = arith.ori %gt3A_67, %gt3A_69 : i1
        %convert_element_type3A_70 = arith.extui %or3A : i1 to i32
        %cond3A_71 = arith.constant 0 : i32
        %cond3A_72 = arith.cmpi ne, %convert_element_type3A_70, %cond3A_71 : i32
        scf.if %cond3A_72 {
          %dma_wait3A_214 = arith.constant 0 : i32
          %dma_wait3A_215 = arith.constant 0 : i32
          %dma_wait3A_216 = tpu.memref_slice %arg2[%dma_wait3A_214, %dma_wait3A_215] : memref<100352x16xf32, #tpu.memory_space<hbm>> -> memref<128x16xf32, #tpu.memory_space<hbm>>
          %dma_wait3A_217 = arith.constant 0 : i32
          %dma_wait3A_218 = arith.constant 0 : i32
          %dma_wait3A_219 = tpu.memref_slice %arg2[%dma_wait3A_217, %dma_wait3A_218] : memref<100352x16xf32, #tpu.memory_space<hbm>> -> memref<128x16xf32, #tpu.memory_space<hbm>>
          tpu.wait_dma2 semaphore(%arg20 : memref<!tpu.dma_semaphore, #tpu.memory_space<semaphore_mem>>) src(%dma_wait3A_219 : memref<128x16xf32, #tpu.memory_space<hbm>>) dst(%arg8 : memref<128x16xf32, #tpu.memory_space<vmem>>)
        } else {
        }
        %mul3A_73 = arith.constant 5 : i32
        %mul3A_74 = arith.muli %add3A_66, %mul3A_73 : i32
        %add3A_75 = arith.constant 0 : i32
        %add3A_76 = arith.addi %mul3A_74, %add3A_75 : i32
        %dma_start3A = arith.constant 0 : i32
        %dma_start3A_77 = tpu.memref_slice %arg6[%add3A_76, %dma_start3A] : memref<40x128xi32, #tpu.memory_space<vmem>> -> memref<1x128xi32, #tpu.memory_space<vmem>>
        %dma_start3A_78 = tpu.memref_squeeze %dma_start3A_77 : memref<1x128xi32, #tpu.memory_space<vmem>> -> memref<128xi32, #tpu.memory_space<vmem>>
        %dma_start3A_79 = arith.constant 0 : i32
        %dma_start3A_80 = arith.constant 0 : i32
        %dma_start3A_81 = tpu.memref_slice %arg2[%dma_start3A_79, %dma_start3A_80] : memref<100352x16xf32, #tpu.memory_space<hbm>> -> memref<100352x16xf32, #tpu.memory_space<hbm>>
        tpu.enqueue_indirect_dma source(%dma_start3A_81 : memref<100352x16xf32, #tpu.memory_space<hbm>>) target(%arg8 : memref<128x16xf32, #tpu.memory_space<vmem>>) offsets(%dma_start3A_78 : memref<128xi32, #tpu.memory_space<vmem>>) semaphore(%arg15 : memref<!tpu.dma_semaphore, #tpu.memory_space<semaphore_mem>>)
        %convert_element_type3A_82 = arith.extui %or3A : i1 to i32
        %cond3A_83 = arith.constant 0 : i32
        %cond3A_84 = arith.cmpi ne, %convert_element_type3A_82, %cond3A_83 : i32
        scf.if %cond3A_84 {
          %dma_wait3A_214 = arith.constant 0 : i32
          %dma_wait3A_215 = arith.constant 0 : i32
          %dma_wait3A_216 = tpu.memref_slice %arg2[%dma_wait3A_214, %dma_wait3A_215] : memref<100352x16xf32, #tpu.memory_space<hbm>> -> memref<128x16xf32, #tpu.memory_space<hbm>>
          %dma_wait3A_217 = arith.constant 0 : i32
          %dma_wait3A_218 = arith.constant 0 : i32
          %dma_wait3A_219 = tpu.memref_slice %arg2[%dma_wait3A_217, %dma_wait3A_218] : memref<100352x16xf32, #tpu.memory_space<hbm>> -> memref<128x16xf32, #tpu.memory_space<hbm>>
          tpu.wait_dma2 semaphore(%arg21 : memref<!tpu.dma_semaphore, #tpu.memory_space<semaphore_mem>>) src(%dma_wait3A_219 : memref<128x16xf32, #tpu.memory_space<hbm>>) dst(%arg9 : memref<128x16xf32, #tpu.memory_space<vmem>>)
        } else {
        }
        %mul3A_85 = arith.constant 5 : i32
        %mul3A_86 = arith.muli %add3A_66, %mul3A_85 : i32
        %add3A_87 = arith.constant 1 : i32
        %add3A_88 = arith.addi %mul3A_86, %add3A_87 : i32
        %dma_start3A_89 = arith.constant 0 : i32
        %dma_start3A_90 = tpu.memref_slice %arg6[%add3A_88, %dma_start3A_89] : memref<40x128xi32, #tpu.memory_space<vmem>> -> memref<1x128xi32, #tpu.memory_space<vmem>>
        %dma_start3A_91 = tpu.memref_squeeze %dma_start3A_90 : memref<1x128xi32, #tpu.memory_space<vmem>> -> memref<128xi32, #tpu.memory_space<vmem>>
        %dma_start3A_92 = arith.constant 0 : i32
        %dma_start3A_93 = arith.constant 0 : i32
        %dma_start3A_94 = tpu.memref_slice %arg2[%dma_start3A_92, %dma_start3A_93] : memref<100352x16xf32, #tpu.memory_space<hbm>> -> memref<100352x16xf32, #tpu.memory_space<hbm>>
        tpu.enqueue_indirect_dma source(%dma_start3A_94 : memref<100352x16xf32, #tpu.memory_space<hbm>>) target(%arg9 : memref<128x16xf32, #tpu.memory_space<vmem>>) offsets(%dma_start3A_91 : memref<128xi32, #tpu.memory_space<vmem>>) semaphore(%arg16 : memref<!tpu.dma_semaphore, #tpu.memory_space<semaphore_mem>>)
        %convert_element_type3A_95 = arith.extui %or3A : i1 to i32
        %cond3A_96 = arith.constant 0 : i32
        %cond3A_97 = arith.cmpi ne, %convert_element_type3A_95, %cond3A_96 : i32
        scf.if %cond3A_97 {
          %dma_wait3A_214 = arith.constant 0 : i32
          %dma_wait3A_215 = arith.constant 0 : i32
          %dma_wait3A_216 = tpu.memref_slice %arg2[%dma_wait3A_214, %dma_wait3A_215] : memref<100352x16xf32, #tpu.memory_space<hbm>> -> memref<128x16xf32, #tpu.memory_space<hbm>>
          %dma_wait3A_217 = arith.constant 0 : i32
          %dma_wait3A_218 = arith.constant 0 : i32
          %dma_wait3A_219 = tpu.memref_slice %arg2[%dma_wait3A_217, %dma_wait3A_218] : memref<100352x16xf32, #tpu.memory_space<hbm>> -> memref<128x16xf32, #tpu.memory_space<hbm>>
          tpu.wait_dma2 semaphore(%arg22 : memref<!tpu.dma_semaphore, #tpu.memory_space<semaphore_mem>>) src(%dma_wait3A_219 : memref<128x16xf32, #tpu.memory_space<hbm>>) dst(%arg10 : memref<128x16xf32, #tpu.memory_space<vmem>>)
        } else {
        }
        %mul3A_98 = arith.constant 5 : i32
        %mul3A_99 = arith.muli %add3A_66, %mul3A_98 : i32
        %add3A_100 = arith.constant 2 : i32
        %add3A_101 = arith.addi %mul3A_99, %add3A_100 : i32
        %dma_start3A_102 = arith.constant 0 : i32
        %dma_start3A_103 = tpu.memref_slice %arg6[%add3A_101, %dma_start3A_102] : memref<40x128xi32, #tpu.memory_space<vmem>> -> memref<1x128xi32, #tpu.memory_space<vmem>>
        %dma_start3A_104 = tpu.memref_squeeze %dma_start3A_103 : memref<1x128xi32, #tpu.memory_space<vmem>> -> memref<128xi32, #tpu.memory_space<vmem>>
        %dma_start3A_105 = arith.constant 0 : i32
        %dma_start3A_106 = arith.constant 0 : i32
        %dma_start3A_107 = tpu.memref_slice %arg2[%dma_start3A_105, %dma_start3A_106] : memref<100352x16xf32, #tpu.memory_space<hbm>> -> memref<100352x16xf32, #tpu.memory_space<hbm>>
        tpu.enqueue_indirect_dma source(%dma_start3A_107 : memref<100352x16xf32, #tpu.memory_space<hbm>>) target(%arg10 : memref<128x16xf32, #tpu.memory_space<vmem>>) offsets(%dma_start3A_104 : memref<128xi32, #tpu.memory_space<vmem>>) semaphore(%arg17 : memref<!tpu.dma_semaphore, #tpu.memory_space<semaphore_mem>>)
        %convert_element_type3A_108 = arith.extui %or3A : i1 to i32
        %cond3A_109 = arith.constant 0 : i32
        %cond3A_110 = arith.cmpi ne, %convert_element_type3A_108, %cond3A_109 : i32
        scf.if %cond3A_110 {
          %dma_wait3A_214 = arith.constant 0 : i32
          %dma_wait3A_215 = arith.constant 0 : i32
          %dma_wait3A_216 = tpu.memref_slice %arg2[%dma_wait3A_214, %dma_wait3A_215] : memref<100352x16xf32, #tpu.memory_space<hbm>> -> memref<128x16xf32, #tpu.memory_space<hbm>>
          %dma_wait3A_217 = arith.constant 0 : i32
          %dma_wait3A_218 = arith.constant 0 : i32
          %dma_wait3A_219 = tpu.memref_slice %arg2[%dma_wait3A_217, %dma_wait3A_218] : memref<100352x16xf32, #tpu.memory_space<hbm>> -> memref<128x16xf32, #tpu.memory_space<hbm>>
          tpu.wait_dma2 semaphore(%arg23 : memref<!tpu.dma_semaphore, #tpu.memory_space<semaphore_mem>>) src(%dma_wait3A_219 : memref<128x16xf32, #tpu.memory_space<hbm>>) dst(%arg11 : memref<128x16xf32, #tpu.memory_space<vmem>>)
        } else {
        }
        %mul3A_111 = arith.constant 5 : i32
        %mul3A_112 = arith.muli %add3A_66, %mul3A_111 : i32
        %add3A_113 = arith.constant 3 : i32
        %add3A_114 = arith.addi %mul3A_112, %add3A_113 : i32
        %dma_start3A_115 = arith.constant 0 : i32
        %dma_start3A_116 = tpu.memref_slice %arg6[%add3A_114, %dma_start3A_115] : memref<40x128xi32, #tpu.memory_space<vmem>> -> memref<1x128xi32, #tpu.memory_space<vmem>>
        %dma_start3A_117 = tpu.memref_squeeze %dma_start3A_116 : memref<1x128xi32, #tpu.memory_space<vmem>> -> memref<128xi32, #tpu.memory_space<vmem>>
        %dma_start3A_118 = arith.constant 0 : i32
        %dma_start3A_119 = arith.constant 0 : i32
        %dma_start3A_120 = tpu.memref_slice %arg2[%dma_start3A_118, %dma_start3A_119] : memref<100352x16xf32, #tpu.memory_space<hbm>> -> memref<100352x16xf32, #tpu.memory_space<hbm>>
        tpu.enqueue_indirect_dma source(%dma_start3A_120 : memref<100352x16xf32, #tpu.memory_space<hbm>>) target(%arg11 : memref<128x16xf32, #tpu.memory_space<vmem>>) offsets(%dma_start3A_117 : memref<128xi32, #tpu.memory_space<vmem>>) semaphore(%arg18 : memref<!tpu.dma_semaphore, #tpu.memory_space<semaphore_mem>>)
        %convert_element_type3A_121 = arith.extui %or3A : i1 to i32
        %cond3A_122 = arith.constant 0 : i32
        %cond3A_123 = arith.cmpi ne, %convert_element_type3A_121, %cond3A_122 : i32
        scf.if %cond3A_123 {
          %dma_wait3A_214 = arith.constant 0 : i32
          %dma_wait3A_215 = arith.constant 0 : i32
          %dma_wait3A_216 = tpu.memref_slice %arg2[%dma_wait3A_214, %dma_wait3A_215] : memref<100352x16xf32, #tpu.memory_space<hbm>> -> memref<128x16xf32, #tpu.memory_space<hbm>>
          %dma_wait3A_217 = arith.constant 0 : i32
          %dma_wait3A_218 = arith.constant 0 : i32
          %dma_wait3A_219 = tpu.memref_slice %arg2[%dma_wait3A_217, %dma_wait3A_218] : memref<100352x16xf32, #tpu.memory_space<hbm>> -> memref<128x16xf32, #tpu.memory_space<hbm>>
          tpu.wait_dma2 semaphore(%arg24 : memref<!tpu.dma_semaphore, #tpu.memory_space<semaphore_mem>>) src(%dma_wait3A_219 : memref<128x16xf32, #tpu.memory_space<hbm>>) dst(%arg12 : memref<128x16xf32, #tpu.memory_space<vmem>>)
        } else {
        }
        %mul3A_124 = arith.constant 5 : i32
        %mul3A_125 = arith.muli %add3A_66, %mul3A_124 : i32
        %add3A_126 = arith.constant 4 : i32
        %add3A_127 = arith.addi %mul3A_125, %add3A_126 : i32
        %dma_start3A_128 = arith.constant 0 : i32
        %dma_start3A_129 = tpu.memref_slice %arg6[%add3A_127, %dma_start3A_128] : memref<40x128xi32, #tpu.memory_space<vmem>> -> memref<1x128xi32, #tpu.memory_space<vmem>>
        %dma_start3A_130 = tpu.memref_squeeze %dma_start3A_129 : memref<1x128xi32, #tpu.memory_space<vmem>> -> memref<128xi32, #tpu.memory_space<vmem>>
        %dma_start3A_131 = arith.constant 0 : i32
        %dma_start3A_132 = arith.constant 0 : i32
        %dma_start3A_133 = tpu.memref_slice %arg2[%dma_start3A_131, %dma_start3A_132] : memref<100352x16xf32, #tpu.memory_space<hbm>> -> memref<100352x16xf32, #tpu.memory_space<hbm>>
        tpu.enqueue_indirect_dma source(%dma_start3A_133 : memref<100352x16xf32, #tpu.memory_space<hbm>>) target(%arg12 : memref<128x16xf32, #tpu.memory_space<vmem>>) offsets(%dma_start3A_130 : memref<128xi32, #tpu.memory_space<vmem>>) semaphore(%arg19 : memref<!tpu.dma_semaphore, #tpu.memory_space<semaphore_mem>>)
        %dma_wait3A_134 = arith.constant 0 : i32
        %dma_wait3A_135 = tpu.memref_slice %arg6[%add3A_76, %dma_wait3A_134] : memref<40x128xi32, #tpu.memory_space<vmem>> -> memref<1x128xi32, #tpu.memory_space<vmem>>
        %dma_wait3A_136 = tpu.memref_squeeze %dma_wait3A_135 : memref<1x128xi32, #tpu.memory_space<vmem>> -> memref<128xi32, #tpu.memory_space<vmem>>
        %dma_wait3A_137 = arith.constant 0 : i32
        %dma_wait3A_138 = arith.constant 0 : i32
        %dma_wait3A_139 = tpu.memref_slice %arg2[%dma_wait3A_137, %dma_wait3A_138] : memref<100352x16xf32, #tpu.memory_space<hbm>> -> memref<100352x16xf32, #tpu.memory_space<hbm>>
        tpu.wait_indirect_dma semaphore(%arg15 : memref<!tpu.dma_semaphore, #tpu.memory_space<semaphore_mem>>) src(%dma_wait3A_139 : memref<100352x16xf32, #tpu.memory_space<hbm>>) dst(%arg8 : memref<128x16xf32, #tpu.memory_space<vmem>>)
        %mul3A_140 = arith.constant 5 : i32
        %mul3A_141 = arith.muli %add3A_66, %mul3A_140 : i32
        %add3A_142 = arith.constant 0 : i32
        %add3A_143 = arith.addi %mul3A_141, %add3A_142 : i32
        %dma_start3A_144 = arith.constant 0 : i32
        %dma_start3A_145 = tpu.memref_slice %arg7[%add3A_143, %dma_start3A_144] : memref<40x128xi32, #tpu.memory_space<vmem>> -> memref<1x128xi32, #tpu.memory_space<vmem>>
        %dma_start3A_146 = tpu.memref_squeeze %dma_start3A_145 : memref<1x128xi32, #tpu.memory_space<vmem>> -> memref<128xi32, #tpu.memory_space<vmem>>
        %dma_start3A_147 = arith.constant 0 : i32
        %dma_start3A_148 = arith.constant 0 : i32
        %dma_start3A_149 = tpu.memref_slice %arg14[%dma_start3A_147, %dma_start3A_148] : memref<100352x16xf32, #tpu.memory_space<vmem_shared>> -> memref<100352x16xf32, #tpu.memory_space<vmem_shared>>
        tpu.enqueue_indirect_dma source(%arg8 : memref<128x16xf32, #tpu.memory_space<vmem>>) target(%dma_start3A_149 : memref<100352x16xf32, #tpu.memory_space<vmem_shared>>) offsets(%dma_start3A_146 : memref<128xi32, #tpu.memory_space<vmem>>) semaphore(%arg20 : memref<!tpu.dma_semaphore, #tpu.memory_space<semaphore_mem>>) {add = true}
        %dma_wait3A_150 = arith.constant 0 : i32
        %dma_wait3A_151 = tpu.memref_slice %arg6[%add3A_88, %dma_wait3A_150] : memref<40x128xi32, #tpu.memory_space<vmem>> -> memref<1x128xi32, #tpu.memory_space<vmem>>
        %dma_wait3A_152 = tpu.memref_squeeze %dma_wait3A_151 : memref<1x128xi32, #tpu.memory_space<vmem>> -> memref<128xi32, #tpu.memory_space<vmem>>
        %dma_wait3A_153 = arith.constant 0 : i32
        %dma_wait3A_154 = arith.constant 0 : i32
        %dma_wait3A_155 = tpu.memref_slice %arg2[%dma_wait3A_153, %dma_wait3A_154] : memref<100352x16xf32, #tpu.memory_space<hbm>> -> memref<100352x16xf32, #tpu.memory_space<hbm>>
        tpu.wait_indirect_dma semaphore(%arg16 : memref<!tpu.dma_semaphore, #tpu.memory_space<semaphore_mem>>) src(%dma_wait3A_155 : memref<100352x16xf32, #tpu.memory_space<hbm>>) dst(%arg9 : memref<128x16xf32, #tpu.memory_space<vmem>>)
        %mul3A_156 = arith.constant 5 : i32
        %mul3A_157 = arith.muli %add3A_66, %mul3A_156 : i32
        %add3A_158 = arith.constant 1 : i32
        %add3A_159 = arith.addi %mul3A_157, %add3A_158 : i32
        %dma_start3A_160 = arith.constant 0 : i32
        %dma_start3A_161 = tpu.memref_slice %arg7[%add3A_159, %dma_start3A_160] : memref<40x128xi32, #tpu.memory_space<vmem>> -> memref<1x128xi32, #tpu.memory_space<vmem>>
        %dma_start3A_162 = tpu.memref_squeeze %dma_start3A_161 : memref<1x128xi32, #tpu.memory_space<vmem>> -> memref<128xi32, #tpu.memory_space<vmem>>
        %dma_start3A_163 = arith.constant 0 : i32
        %dma_start3A_164 = arith.constant 0 : i32
        %dma_start3A_165 = tpu.memref_slice %arg14[%dma_start3A_163, %dma_start3A_164] : memref<100352x16xf32, #tpu.memory_space<vmem_shared>> -> memref<100352x16xf32, #tpu.memory_space<vmem_shared>>
        tpu.enqueue_indirect_dma source(%arg9 : memref<128x16xf32, #tpu.memory_space<vmem>>) target(%dma_start3A_165 : memref<100352x16xf32, #tpu.memory_space<vmem_shared>>) offsets(%dma_start3A_162 : memref<128xi32, #tpu.memory_space<vmem>>) semaphore(%arg21 : memref<!tpu.dma_semaphore, #tpu.memory_space<semaphore_mem>>) {add = true}
        %dma_wait3A_166 = arith.constant 0 : i32
        %dma_wait3A_167 = tpu.memref_slice %arg6[%add3A_101, %dma_wait3A_166] : memref<40x128xi32, #tpu.memory_space<vmem>> -> memref<1x128xi32, #tpu.memory_space<vmem>>
        %dma_wait3A_168 = tpu.memref_squeeze %dma_wait3A_167 : memref<1x128xi32, #tpu.memory_space<vmem>> -> memref<128xi32, #tpu.memory_space<vmem>>
        %dma_wait3A_169 = arith.constant 0 : i32
        %dma_wait3A_170 = arith.constant 0 : i32
        %dma_wait3A_171 = tpu.memref_slice %arg2[%dma_wait3A_169, %dma_wait3A_170] : memref<100352x16xf32, #tpu.memory_space<hbm>> -> memref<100352x16xf32, #tpu.memory_space<hbm>>
        tpu.wait_indirect_dma semaphore(%arg17 : memref<!tpu.dma_semaphore, #tpu.memory_space<semaphore_mem>>) src(%dma_wait3A_171 : memref<100352x16xf32, #tpu.memory_space<hbm>>) dst(%arg10 : memref<128x16xf32, #tpu.memory_space<vmem>>)
        %mul3A_172 = arith.constant 5 : i32
        %mul3A_173 = arith.muli %add3A_66, %mul3A_172 : i32
        %add3A_174 = arith.constant 2 : i32
        %add3A_175 = arith.addi %mul3A_173, %add3A_174 : i32
        %dma_start3A_176 = arith.constant 0 : i32
        %dma_start3A_177 = tpu.memref_slice %arg7[%add3A_175, %dma_start3A_176] : memref<40x128xi32, #tpu.memory_space<vmem>> -> memref<1x128xi32, #tpu.memory_space<vmem>>
        %dma_start3A_178 = tpu.memref_squeeze %dma_start3A_177 : memref<1x128xi32, #tpu.memory_space<vmem>> -> memref<128xi32, #tpu.memory_space<vmem>>
        %dma_start3A_179 = arith.constant 0 : i32
        %dma_start3A_180 = arith.constant 0 : i32
        %dma_start3A_181 = tpu.memref_slice %arg14[%dma_start3A_179, %dma_start3A_180] : memref<100352x16xf32, #tpu.memory_space<vmem_shared>> -> memref<100352x16xf32, #tpu.memory_space<vmem_shared>>
        tpu.enqueue_indirect_dma source(%arg10 : memref<128x16xf32, #tpu.memory_space<vmem>>) target(%dma_start3A_181 : memref<100352x16xf32, #tpu.memory_space<vmem_shared>>) offsets(%dma_start3A_178 : memref<128xi32, #tpu.memory_space<vmem>>) semaphore(%arg22 : memref<!tpu.dma_semaphore, #tpu.memory_space<semaphore_mem>>) {add = true}
        %dma_wait3A_182 = arith.constant 0 : i32
        %dma_wait3A_183 = tpu.memref_slice %arg6[%add3A_114, %dma_wait3A_182] : memref<40x128xi32, #tpu.memory_space<vmem>> -> memref<1x128xi32, #tpu.memory_space<vmem>>
        %dma_wait3A_184 = tpu.memref_squeeze %dma_wait3A_183 : memref<1x128xi32, #tpu.memory_space<vmem>> -> memref<128xi32, #tpu.memory_space<vmem>>
        %dma_wait3A_185 = arith.constant 0 : i32
        %dma_wait3A_186 = arith.constant 0 : i32
        %dma_wait3A_187 = tpu.memref_slice %arg2[%dma_wait3A_185, %dma_wait3A_186] : memref<100352x16xf32, #tpu.memory_space<hbm>> -> memref<100352x16xf32, #tpu.memory_space<hbm>>
        tpu.wait_indirect_dma semaphore(%arg18 : memref<!tpu.dma_semaphore, #tpu.memory_space<semaphore_mem>>) src(%dma_wait3A_187 : memref<100352x16xf32, #tpu.memory_space<hbm>>) dst(%arg11 : memref<128x16xf32, #tpu.memory_space<vmem>>)
        %mul3A_188 = arith.constant 5 : i32
        %mul3A_189 = arith.muli %add3A_66, %mul3A_188 : i32
        %add3A_190 = arith.constant 3 : i32
        %add3A_191 = arith.addi %mul3A_189, %add3A_190 : i32
        %dma_start3A_192 = arith.constant 0 : i32
        %dma_start3A_193 = tpu.memref_slice %arg7[%add3A_191, %dma_start3A_192] : memref<40x128xi32, #tpu.memory_space<vmem>> -> memref<1x128xi32, #tpu.memory_space<vmem>>
        %dma_start3A_194 = tpu.memref_squeeze %dma_start3A_193 : memref<1x128xi32, #tpu.memory_space<vmem>> -> memref<128xi32, #tpu.memory_space<vmem>>
        %dma_start3A_195 = arith.constant 0 : i32
        %dma_start3A_196 = arith.constant 0 : i32
        %dma_start3A_197 = tpu.memref_slice %arg14[%dma_start3A_195, %dma_start3A_196] : memref<100352x16xf32, #tpu.memory_space<vmem_shared>> -> memref<100352x16xf32, #tpu.memory_space<vmem_shared>>
        tpu.enqueue_indirect_dma source(%arg11 : memref<128x16xf32, #tpu.memory_space<vmem>>) target(%dma_start3A_197 : memref<100352x16xf32, #tpu.memory_space<vmem_shared>>) offsets(%dma_start3A_194 : memref<128xi32, #tpu.memory_space<vmem>>) semaphore(%arg23 : memref<!tpu.dma_semaphore, #tpu.memory_space<semaphore_mem>>) {add = true}
        %dma_wait3A_198 = arith.constant 0 : i32
        %dma_wait3A_199 = tpu.memref_slice %arg6[%add3A_127, %dma_wait3A_198] : memref<40x128xi32, #tpu.memory_space<vmem>> -> memref<1x128xi32, #tpu.memory_space<vmem>>
        %dma_wait3A_200 = tpu.memref_squeeze %dma_wait3A_199 : memref<1x128xi32, #tpu.memory_space<vmem>> -> memref<128xi32, #tpu.memory_space<vmem>>
        %dma_wait3A_201 = arith.constant 0 : i32
        %dma_wait3A_202 = arith.constant 0 : i32
        %dma_wait3A_203 = tpu.memref_slice %arg2[%dma_wait3A_201, %dma_wait3A_202] : memref<100352x16xf32, #tpu.memory_space<hbm>> -> memref<100352x16xf32, #tpu.memory_space<hbm>>
        tpu.wait_indirect_dma semaphore(%arg19 : memref<!tpu.dma_semaphore, #tpu.memory_space<semaphore_mem>>) src(%dma_wait3A_203 : memref<100352x16xf32, #tpu.memory_space<hbm>>) dst(%arg12 : memref<128x16xf32, #tpu.memory_space<vmem>>)
        %mul3A_204 = arith.constant 5 : i32
        %mul3A_205 = arith.muli %add3A_66, %mul3A_204 : i32
        %add3A_206 = arith.constant 4 : i32
        %add3A_207 = arith.addi %mul3A_205, %add3A_206 : i32
        %dma_start3A_208 = arith.constant 0 : i32
        %dma_start3A_209 = tpu.memref_slice %arg7[%add3A_207, %dma_start3A_208] : memref<40x128xi32, #tpu.memory_space<vmem>> -> memref<1x128xi32, #tpu.memory_space<vmem>>
        %dma_start3A_210 = tpu.memref_squeeze %dma_start3A_209 : memref<1x128xi32, #tpu.memory_space<vmem>> -> memref<128xi32, #tpu.memory_space<vmem>>
        %dma_start3A_211 = arith.constant 0 : i32
        %dma_start3A_212 = arith.constant 0 : i32
        %dma_start3A_213 = tpu.memref_slice %arg14[%dma_start3A_211, %dma_start3A_212] : memref<100352x16xf32, #tpu.memory_space<vmem_shared>> -> memref<100352x16xf32, #tpu.memory_space<vmem_shared>>
        tpu.enqueue_indirect_dma source(%arg12 : memref<128x16xf32, #tpu.memory_space<vmem>>) target(%dma_start3A_213 : memref<100352x16xf32, #tpu.memory_space<vmem_shared>>) offsets(%dma_start3A_210 : memref<128xi32, #tpu.memory_space<vmem>>) semaphore(%arg24 : memref<!tpu.dma_semaphore, #tpu.memory_space<semaphore_mem>>) {add = true}
      }
      %scan3A_61 = arith.constant 8 : i32
    }
    %scan3A_14 = arith.constant 9 : i32
    %dma_wait3A = arith.constant 0 : i32
    %dma_wait3A_15 = arith.constant 0 : i32
    %dma_wait3A_16 = tpu.memref_slice %arg2[%dma_wait3A, %dma_wait3A_15] : memref<100352x16xf32, #tpu.memory_space<hbm>> -> memref<128x16xf32, #tpu.memory_space<hbm>>
    %dma_wait3A_17 = arith.constant 0 : i32
    %dma_wait3A_18 = arith.constant 0 : i32
    %dma_wait3A_19 = tpu.memref_slice %arg2[%dma_wait3A_17, %dma_wait3A_18] : memref<100352x16xf32, #tpu.memory_space<hbm>> -> memref<128x16xf32, #tpu.memory_space<hbm>>
    tpu.wait_dma2 semaphore(%arg20 : memref<!tpu.dma_semaphore, #tpu.memory_space<semaphore_mem>>) src(%dma_wait3A_19 : memref<128x16xf32, #tpu.memory_space<hbm>>) dst(%arg8 : memref<128x16xf32, #tpu.memory_space<vmem>>)
    %dma_wait3A_20 = arith.constant 0 : i32
    %dma_wait3A_21 = arith.constant 0 : i32
    %dma_wait3A_22 = tpu.memref_slice %arg2[%dma_wait3A_20, %dma_wait3A_21] : memref<100352x16xf32, #tpu.memory_space<hbm>> -> memref<128x16xf32, #tpu.memory_space<hbm>>
    %dma_wait3A_23 = arith.constant 0 : i32
    %dma_wait3A_24 = arith.constant 0 : i32
    %dma_wait3A_25 = tpu.memref_slice %arg2[%dma_wait3A_23, %dma_wait3A_24] : memref<100352x16xf32, #tpu.memory_space<hbm>> -> memref<128x16xf32, #tpu.memory_space<hbm>>
    tpu.wait_dma2 semaphore(%arg21 : memref<!tpu.dma_semaphore, #tpu.memory_space<semaphore_mem>>) src(%dma_wait3A_25 : memref<128x16xf32, #tpu.memory_space<hbm>>) dst(%arg9 : memref<128x16xf32, #tpu.memory_space<vmem>>)
    %dma_wait3A_26 = arith.constant 0 : i32
    %dma_wait3A_27 = arith.constant 0 : i32
    %dma_wait3A_28 = tpu.memref_slice %arg2[%dma_wait3A_26, %dma_wait3A_27] : memref<100352x16xf32, #tpu.memory_space<hbm>> -> memref<128x16xf32, #tpu.memory_space<hbm>>
    %dma_wait3A_29 = arith.constant 0 : i32
    %dma_wait3A_30 = arith.constant 0 : i32
    %dma_wait3A_31 = tpu.memref_slice %arg2[%dma_wait3A_29, %dma_wait3A_30] : memref<100352x16xf32, #tpu.memory_space<hbm>> -> memref<128x16xf32, #tpu.memory_space<hbm>>
    tpu.wait_dma2 semaphore(%arg22 : memref<!tpu.dma_semaphore, #tpu.memory_space<semaphore_mem>>) src(%dma_wait3A_31 : memref<128x16xf32, #tpu.memory_space<hbm>>) dst(%arg10 : memref<128x16xf32, #tpu.memory_space<vmem>>)
    %dma_wait3A_32 = arith.constant 0 : i32
    %dma_wait3A_33 = arith.constant 0 : i32
    %dma_wait3A_34 = tpu.memref_slice %arg2[%dma_wait3A_32, %dma_wait3A_33] : memref<100352x16xf32, #tpu.memory_space<hbm>> -> memref<128x16xf32, #tpu.memory_space<hbm>>
    %dma_wait3A_35 = arith.constant 0 : i32
    %dma_wait3A_36 = arith.constant 0 : i32
    %dma_wait3A_37 = tpu.memref_slice %arg2[%dma_wait3A_35, %dma_wait3A_36] : memref<100352x16xf32, #tpu.memory_space<hbm>> -> memref<128x16xf32, #tpu.memory_space<hbm>>
    tpu.wait_dma2 semaphore(%arg23 : memref<!tpu.dma_semaphore, #tpu.memory_space<semaphore_mem>>) src(%dma_wait3A_37 : memref<128x16xf32, #tpu.memory_space<hbm>>) dst(%arg11 : memref<128x16xf32, #tpu.memory_space<vmem>>)
    %dma_wait3A_38 = arith.constant 0 : i32
    %dma_wait3A_39 = arith.constant 0 : i32
    %dma_wait3A_40 = tpu.memref_slice %arg2[%dma_wait3A_38, %dma_wait3A_39] : memref<100352x16xf32, #tpu.memory_space<hbm>> -> memref<128x16xf32, #tpu.memory_space<hbm>>
    %dma_wait3A_41 = arith.constant 0 : i32
    %dma_wait3A_42 = arith.constant 0 : i32
    %dma_wait3A_43 = tpu.memref_slice %arg2[%dma_wait3A_41, %dma_wait3A_42] : memref<100352x16xf32, #tpu.memory_space<hbm>> -> memref<128x16xf32, #tpu.memory_space<hbm>>
    tpu.wait_dma2 semaphore(%arg24 : memref<!tpu.dma_semaphore, #tpu.memory_space<semaphore_mem>>) src(%dma_wait3A_43 : memref<128x16xf32, #tpu.memory_space<hbm>>) dst(%arg12 : memref<128x16xf32, #tpu.memory_space<vmem>>)
    %barrier3A_44 = arith.constant 0 : index
    tpu.barrier barrier_id(%barrier3A_44)
    %eq3A = arith.constant 0 : i32
    %eq3A_45 = arith.cmpi eq, %arg1, %eq3A : i32
    %convert_element_type3A = arith.extui %eq3A_45 : i1 to i32
    %cond3A = arith.constant 0 : i32
    %cond3A_46 = arith.cmpi ne, %convert_element_type3A, %cond3A : i32
    scf.if %cond3A_46 {
      "tpu.region"() ({
        %run_scoped3A = tpu.sem_alloc : memref<!tpu.dma_semaphore, #tpu.memory_space<semaphore_mem>>
        %dma_start3A = arith.constant 0 : i32
        %dma_start3A_47 = arith.constant 0 : i32
        %dma_start3A_48 = tpu.memref_slice %arg5[%arg0, %dma_start3A, %dma_start3A_47] : memref<2x100352x16xf32, #tpu.memory_space<hbm>> -> memref<1x100352x16xf32, #tpu.memory_space<hbm>>
        %dma_start3A_49 = tpu.memref_squeeze %dma_start3A_48 : memref<1x100352x16xf32, #tpu.memory_space<hbm>> -> memref<100352x16xf32, #tpu.memory_space<hbm>>
        tpu.enqueue_dma source(%arg14 : memref<100352x16xf32, #tpu.memory_space<vmem_shared>>) target(%dma_start3A_49 : memref<100352x16xf32, #tpu.memory_space<hbm>>) target_semaphore(%run_scoped3A : memref<!tpu.dma_semaphore, #tpu.memory_space<semaphore_mem>>)
        %dma_wait3A_50 = arith.constant 0 : i32
        %dma_wait3A_51 = arith.constant 0 : i32
        %dma_wait3A_52 = tpu.memref_slice %arg5[%arg0, %dma_wait3A_50, %dma_wait3A_51] : memref<2x100352x16xf32, #tpu.memory_space<hbm>> -> memref<1x100352x16xf32, #tpu.memory_space<hbm>>
        %dma_wait3A_53 = tpu.memref_squeeze %dma_wait3A_52 : memref<1x100352x16xf32, #tpu.memory_space<hbm>> -> memref<100352x16xf32, #tpu.memory_space<hbm>>
        tpu.wait_dma2 semaphore(%run_scoped3A : memref<!tpu.dma_semaphore, #tpu.memory_space<semaphore_mem>>) src(%arg14 : memref<100352x16xf32, #tpu.memory_space<vmem_shared>>) dst(%dma_wait3A_53 : memref<100352x16xf32, #tpu.memory_space<hbm>>)
        tpu.yield
      }) : () -> ()
    } else {
    }
    return
  }
}

module attributes {stable_mosaic.version = 14 : i64} {
  func.func @body(%arg0: i32, %arg1: memref<2048x3xf32, #tpu.memory_space<vmem>>, %arg2: memref<2048x16xf32, #tpu.memory_space<vmem>>) attributes {dimension_semantics = [#tpu.dimension_semantics<arbitrary>], iteration_bounds = array<i64: 49>, scalar_prefetch = 0 : i64, scratch_operands = 0 : i64, tpu.core_type = #tpu.core_type<tc>, window_params = [{transform_indices = @transform_0, window_bounds = array<i64: 2048, 3>}, {transform_indices = @transform_1, window_bounds = array<i64: 2048, 16>}]} {
    %get3A = arith.constant 0 : index
    %get3A_0 = arith.constant 0 : index
    %get3A_1 = vector.load %arg1[%get3A, %get3A_0] : memref<2048x3xf32, #tpu.memory_space<vmem>>, vector<2048x3xf32>
    %broadcast_in_dim3A = arith.constant 1.000000e+00 : f32
    %broadcast_in_dim3A_2 = vector.broadcast %broadcast_in_dim3A : f32 to vector<2048x1xf32>
    %broadcast_in_dim3A_3 = arith.constant 0.000000e+00 : f32
    %broadcast_in_dim3A_4 = vector.broadcast %broadcast_in_dim3A_3 : f32 to vector<2048x12xf32>
    %concatenate3A = tpu.concatenate %get3A_1, %broadcast_in_dim3A_2, %broadcast_in_dim3A_4 in 1 : vector<2048x3xf32>, vector<2048x1xf32>, vector<2048x12xf32> -> vector<2048x16xf32>
    %swap3A = arith.constant 0 : index
    %swap3A_5 = arith.constant 0 : index
    %swap3A_6 = vector.load %arg2[%swap3A, %swap3A_5] : memref<2048x16xf32, #tpu.memory_space<vmem>>, vector<2048x16xf32>
    tpu.vector_store %arg2[%swap3A, %swap3A_5], %concatenate3A {strides = array<i32>} : memref<2048x16xf32, #tpu.memory_space<vmem>>, vector<2048x16xf32>,
    return
  }
  func.func @transform_0(%arg0: i32) -> (i32, i32) {
    %c0_i32 = arith.constant 0 : i32
    %c0_i32_0 = arith.constant 0 : i32
    return %arg0, %c0_i32 : i32, i32
  }
  func.func @transform_1(%arg0: i32) -> (i32, i32) {
    %c0_i32 = arith.constant 0 : i32
    %c0_i32_0 = arith.constant 0 : i32
    return %arg0, %c0_i32 : i32, i32
  }
}

module attributes {stable_mosaic.version = 14 : i64} {
  func.func @body(%arg0: i32, %arg1: memref<2x1792x128xf32, #tpu.memory_space<vmem>>, %arg2: memref<1792x128xf32, #tpu.memory_space<vmem>>) attributes {dimension_semantics = [#tpu.dimension_semantics<arbitrary>], iteration_bounds = array<i64: 7>, scalar_prefetch = 0 : i64, scratch_operands = 0 : i64, tpu.core_type = #tpu.core_type<tc>, window_params = [{transform_indices = @transform_0, window_bounds = array<i64: 2, 1792, 128>}, {transform_indices = @transform_1, window_bounds = array<i64: 1792, 128>}]} {
    %get3A = arith.constant 0 : index
    %get3A_0 = arith.constant 0 : index
    %get3A_1 = arith.constant 0 : index
    %get3A_2 = vector.load %arg1[%get3A, %get3A_0, %get3A_1] : memref<2x1792x128xf32, #tpu.memory_space<vmem>>, vector<2x1792x128xf32>
    %slice3A = vector.extract_strided_slice %get3A_2 {offsets = [0, 0, 0], sizes = [1, 1792, 128], strides = [1, 1, 1]} : vector<2x1792x128xf32> to vector<1x1792x128xf32>
    %squeeze3A = vector.shape_cast %slice3A : vector<1x1792x128xf32> to vector<1792x128xf32>
    %slice3A_3 = vector.extract_strided_slice %get3A_2 {offsets = [1, 0, 0], sizes = [1, 1792, 128], strides = [1, 1, 1]} : vector<2x1792x128xf32> to vector<1x1792x128xf32>
    %squeeze3A_4 = vector.shape_cast %slice3A_3 : vector<1x1792x128xf32> to vector<1792x128xf32>
    %add3A = arith.addf %squeeze3A, %squeeze3A_4 : vector<1792x128xf32>
    %slice3A_5 = vector.extract_strided_slice %add3A {offsets = [0, 3], sizes = [1792, 125], strides = [1, 1]} : vector<1792x128xf32> to vector<1792x125xf32>
    %slice3A_6 = vector.extract_strided_slice %add3A {offsets = [0, 0], sizes = [1792, 3], strides = [1, 1]} : vector<1792x128xf32> to vector<1792x3xf32>
    %concatenate3A = tpu.concatenate %slice3A_5, %slice3A_6 in 1 : vector<1792x125xf32>, vector<1792x3xf32> -> vector<1792x128xf32>
    %max3A = arith.constant 1.000000e+00 : f32
    %max3A_7 = vector.broadcast %max3A : f32 to vector<1792x128xf32>
    %max3A_8 = arith.maximumf %concatenate3A, %max3A_7 : vector<1792x128xf32>
    %div3A = arith.constant 1.000000e+00 : f32
    %div3A_9 = vector.broadcast %div3A : f32 to vector<1792x128xf32>
    %div3A_10 = arith.divf %div3A_9, %max3A_8 : vector<1792x128xf32>
    %iota3A = tpu.iota {dimensions = array<i32: 1>} : vector<1792x128xi32>
    %jit3A = arith.constant 16 : i32
    %eq3A = arith.constant 0 : i32
    %eq3A_11 = arith.cmpi eq, %jit3A, %eq3A : i32
    %jit3A_12 = arith.constant 1 : i32
    %select_n3A = arith.select %eq3A_11, %jit3A_12, %jit3A : i32
    %rem3A = vector.broadcast %select_n3A : i32 to vector<1792x128xi32>
    %rem3A_13 = arith.remsi %iota3A, %rem3A : vector<1792x128xi32>
    %ne3A = arith.constant 0 : i32
    %ne3A_14 = vector.broadcast %ne3A : i32 to vector<1792x128xi32>
    %ne3A_15 = arith.cmpi ne, %rem3A_13, %ne3A_14 : vector<1792x128xi32>
    %lt3A = arith.constant 0 : i32
    %lt3A_16 = vector.broadcast %lt3A : i32 to vector<1792x128xi32>
    %lt3A_17 = arith.cmpi slt, %rem3A_13, %lt3A_16 : vector<1792x128xi32>
    %lt3A_18 = arith.constant 0 : i32
    %lt3A_19 = arith.cmpi slt, %select_n3A, %lt3A_18 : i32
    %ne3A_20 = vector.broadcast %lt3A_19 : i1 to vector<1792x128xi1>
    %ne3A_21 = vector.broadcast %ne3A_20 : vector<1792x128xi1> to vector<1792x128xi1>
    %ne3A_22 = arith.xori %lt3A_17, %ne3A_21 : vector<1792x128xi1>
    %and3A = arith.andi %ne3A_22, %ne3A_15 : vector<1792x128xi1>
    %add3A_23 = vector.broadcast %select_n3A : i32 to vector<1792x128xi32>
    %add3A_24 = arith.addi %rem3A_13, %add3A_23 : vector<1792x128xi32>
    %select_n3A_25 = arith.select %and3A, %add3A_24, %rem3A_13 : vector<1792x128xi1>, vector<1792x128xi32>
    %eq3A_26 = arith.constant 0 : i32
    %eq3A_27 = vector.broadcast %eq3A_26 : i32 to vector<1792x128xi32>
    %eq3A_28 = arith.cmpi eq, %select_n3A_25, %eq3A_27 : vector<1792x128xi32>
    %jit3A_29 = arith.constant 0.000000e+00 : f32
    %broadcast_in_dim3A = vector.broadcast %jit3A_29 : f32 to vector<1792x128xf32>
    %select_n3A_30 = arith.select %eq3A_28, %div3A_10, %broadcast_in_dim3A : vector<1792x128xi1>, vector<1792x128xf32>
    %swap3A = arith.constant 0 : index
    %swap3A_31 = arith.constant 0 : index
    %swap3A_32 = vector.load %arg2[%swap3A, %swap3A_31] : memref<1792x128xf32, #tpu.memory_space<vmem>>, vector<1792x128xf32>
    tpu.vector_store %arg2[%swap3A, %swap3A_31], %select_n3A_30 {strides = array<i32>} : memref<1792x128xf32, #tpu.memory_space<vmem>>, vector<1792x128xf32>,
    return
  }
  func.func @transform_0(%arg0: i32) -> (i32, i32, i32) {
    %c0_i32 = arith.constant 0 : i32
    %c0_i32_0 = arith.constant 0 : i32
    %c0_i32_1 = arith.constant 0 : i32
    return %c0_i32, %arg0, %c0_i32_0 : i32, i32, i32
  }
  func.func @transform_1(%arg0: i32) -> (i32, i32) {
    %c0_i32 = arith.constant 0 : i32
    %c0_i32_0 = arith.constant 0 : i32
    return %arg0, %c0_i32 : i32, i32
  }
}

module attributes {stable_mosaic.version = 14 : i64} {
  func.func @body(%arg0: i32, %arg1: memref<2x448x128xf32, #tpu.memory_space<vmem>>, %arg2: memref<448x128xf32, #tpu.memory_space<vmem>>, %arg3: memref<2x448x128xf32, #tpu.memory_space<vmem>>, %arg4: memref<448x128xf32, #tpu.memory_space<vmem>>, %arg5: memref<32x128xf32, #tpu.memory_space<vmem>>, %arg6: memref<128x128xf32, #tpu.memory_space<vmem>>, %arg7: memref<128x128xf32, #tpu.memory_space<vmem>>, %arg8: memref<1x128xf32, #tpu.memory_space<vmem>>, %arg9: memref<1x128xf32, #tpu.memory_space<vmem>>, %arg10: memref<8x128xf32, #tpu.memory_space<vmem>>) attributes {dimension_semantics = [#tpu.dimension_semantics<arbitrary>], iteration_bounds = array<i64: 28>, scalar_prefetch = 0 : i64, scratch_operands = 1 : i64, tpu.core_type = #tpu.core_type<tc>, window_params = [{transform_indices = @transform_0, window_bounds = array<i64: 2, 448, 128>}, {transform_indices = @transform_1, window_bounds = array<i64: 448, 128>}, {transform_indices = @transform_2, window_bounds = array<i64: 2, 448, 128>}, {transform_indices = @transform_3, window_bounds = array<i64: 448, 128>}, {pipeline_mode = #tpu.pipeline_mode<synchronous>, transform_indices = @transform_4, window_bounds = array<i64: 32, 128>}, {pipeline_mode = #tpu.pipeline_mode<synchronous>, transform_indices = @transform_5, window_bounds = array<i64: 128, 128>}, {pipeline_mode = #tpu.pipeline_mode<synchronous>, transform_indices = @transform_6, window_bounds = array<i64: 128, 128>}, {pipeline_mode = #tpu.pipeline_mode<synchronous>, transform_indices = @transform_7, window_bounds = array<i64: 1, 128>}, {pipeline_mode = #tpu.pipeline_mode<synchronous>, transform_indices = @transform_8, window_bounds = array<i64: 1, 128>}]} {
    %eq3A = arith.constant 0 : i32
    %eq3A_0 = arith.cmpi eq, %arg0, %eq3A : i32
    %convert_element_type3A = arith.extui %eq3A_0 : i1 to i32
    %cond3A = arith.constant 0 : i32
    %cond3A_1 = arith.cmpi ne, %convert_element_type3A, %cond3A : i32
    scf.if %cond3A_1 {
      %broadcast_in_dim3A_332 = arith.constant 0.000000e+00 : f32
      %broadcast_in_dim3A_333 = vector.broadcast %broadcast_in_dim3A_332 : f32 to vector<8x128xf32>
      %swap3A_334 = arith.constant 0 : index
      %swap3A_335 = arith.constant 0 : index
      %swap3A_336 = vector.load %arg10[%swap3A_334, %swap3A_335] : memref<8x128xf32, #tpu.memory_space<vmem>>, vector<8x128xf32>
      tpu.vector_store %arg10[%swap3A_334, %swap3A_335], %broadcast_in_dim3A_333 {strides = array<i32>} : memref<8x128xf32, #tpu.memory_space<vmem>>, vector<8x128xf32>,
    } else {
    }
    %get3A = arith.constant 0 : index
    %get3A_2 = arith.constant 0 : index
    %get3A_3 = arith.constant 0 : index
    %get3A_4 = vector.load %arg1[%get3A, %get3A_2, %get3A_3] : memref<2x448x128xf32, #tpu.memory_space<vmem>>, vector<2x448x128xf32>
    %get3A_5 = arith.constant 0 : index
    %get3A_6 = arith.constant 0 : index
    %get3A_7 = vector.load %arg4[%get3A_5, %get3A_6] : memref<448x128xf32, #tpu.memory_space<vmem>>, vector<448x128xf32>
    %slice3A = vector.extract_strided_slice %get3A_7 {offsets = [0, 127], sizes = [448, 1], strides = [1, 1]} : vector<448x128xf32> to vector<448x1xf32>
    %slice3A_8 = vector.extract_strided_slice %get3A_7 {offsets = [0, 0], sizes = [448, 127], strides = [1, 1]} : vector<448x128xf32> to vector<448x127xf32>
    %concatenate3A = tpu.concatenate %slice3A, %slice3A_8 in 1 : vector<448x1xf32>, vector<448x127xf32> -> vector<448x128xf32>
    %slice3A_9 = vector.extract_strided_slice %get3A_7 {offsets = [0, 126], sizes = [448, 2], strides = [1, 1]} : vector<448x128xf32> to vector<448x2xf32>
    %slice3A_10 = vector.extract_strided_slice %get3A_7 {offsets = [0, 0], sizes = [448, 126], strides = [1, 1]} : vector<448x128xf32> to vector<448x126xf32>
    %concatenate3A_11 = tpu.concatenate %slice3A_9, %slice3A_10 in 1 : vector<448x2xf32>, vector<448x126xf32> -> vector<448x128xf32>
    %add3A = arith.addf %get3A_7, %concatenate3A : vector<448x128xf32>
    %add3A_12 = arith.addf %add3A, %concatenate3A_11 : vector<448x128xf32>
    %slice3A_13 = vector.extract_strided_slice %get3A_4 {offsets = [0, 0, 0], sizes = [1, 448, 128], strides = [1, 1, 1]} : vector<2x448x128xf32> to vector<1x448x128xf32>
    %squeeze3A = vector.shape_cast %slice3A_13 : vector<1x448x128xf32> to vector<448x128xf32>
    %slice3A_14 = vector.extract_strided_slice %get3A_4 {offsets = [1, 0, 0], sizes = [1, 448, 128], strides = [1, 1, 1]} : vector<2x448x128xf32> to vector<1x448x128xf32>
    %squeeze3A_15 = vector.shape_cast %slice3A_14 : vector<1x448x128xf32> to vector<448x128xf32>
    %add3A_16 = arith.addf %squeeze3A, %squeeze3A_15 : vector<448x128xf32>
    %mul3A = arith.mulf %add3A_16, %add3A_12 : vector<448x128xf32>
    %get3A_17 = arith.constant 0 : index
    %get3A_18 = arith.constant 0 : index
    %get3A_19 = vector.load %arg2[%get3A_17, %get3A_18] : memref<448x128xf32, #tpu.memory_space<vmem>>, vector<448x128xf32>
    %get3A_20 = arith.constant 0 : index
    %get3A_21 = arith.constant 0 : index
    %get3A_22 = arith.constant 0 : index
    %get3A_23 = vector.load %arg3[%get3A_20, %get3A_21, %get3A_22] : memref<2x448x128xf32, #tpu.memory_space<vmem>>, vector<2x448x128xf32>
    %slice3A_24 = vector.extract_strided_slice %get3A_23 {offsets = [0, 0, 0], sizes = [1, 448, 128], strides = [1, 1, 1]} : vector<2x448x128xf32> to vector<1x448x128xf32>
    %squeeze3A_25 = vector.shape_cast %slice3A_24 : vector<1x448x128xf32> to vector<448x128xf32>
    %slice3A_26 = vector.extract_strided_slice %get3A_23 {offsets = [1, 0, 0], sizes = [1, 448, 128], strides = [1, 1, 1]} : vector<2x448x128xf32> to vector<1x448x128xf32>
    %squeeze3A_27 = vector.shape_cast %slice3A_26 : vector<1x448x128xf32> to vector<448x128xf32>
    %add3A_28 = arith.addf %squeeze3A_25, %squeeze3A_27 : vector<448x128xf32>
    %get3A_29 = arith.constant 0 : index
    %get3A_30 = arith.constant 0 : index
    %get3A_31 = vector.load %arg5[%get3A_29, %get3A_30] : memref<32x128xf32, #tpu.memory_space<vmem>>, vector<32x128xf32>
    %broadcast_in_dim3A = arith.constant 0.000000e+00 : f32
    %broadcast_in_dim3A_32 = vector.broadcast %broadcast_in_dim3A : f32 to vector<448x128xf32>
    %broadcast_in_dim3A_33 = arith.constant 0.000000e+00 : f32
    %broadcast_in_dim3A_34 = vector.broadcast %broadcast_in_dim3A_33 : f32 to vector<448x128xf32>
    %slice3A_35 = vector.extract_strided_slice %mul3A {offsets = [0, 0], sizes = [448, 16], strides = [1, 1]} : vector<448x128xf32> to vector<448x16xf32>
    %slice3A_36 = vector.extract_strided_slice %get3A_19 {offsets = [0, 0], sizes = [448, 16], strides = [1, 1]} : vector<448x128xf32> to vector<448x16xf32>
    %concatenate3A_37 = tpu.concatenate %slice3A_35, %slice3A_36 in 1 : vector<448x16xf32>, vector<448x16xf32> -> vector<448x32xf32>
    %dot_general3A = arith.constant dense<0.000000e+00> : vector<448x128xf32>
    %dot_general3A_38 = tpu.matmul %concatenate3A_37, %get3A_31, %dot_general3A {dimension_numbers = #tpu.dot_dimension_numbers<[1], [0], [0], [1], [0, 0, 1, 1], [], []>, precision = #tpu.contract_precision<fp32>, transpose_lhs_hint = false} : vector<448x32xf32>, vector<32x128xf32>, vector<448x128xf32> -> vector<448x128xf32>
    %max3A = arith.constant 0.000000e+00 : f32
    %max3A_39 = vector.broadcast %max3A : f32 to vector<448x128xf32>
    %max3A_40 = arith.maximumf %dot_general3A_38, %max3A_39 : vector<448x128xf32>
    %mul3A_41 = arith.constant 3584 : i32
    %mul3A_42 = arith.muli %arg0, %mul3A_41 : i32
    %iota3A = tpu.iota {dimensions = array<i32: 0>} : vector<448x1xi32>
    %mul3A_43 = arith.constant 8 : i32
    %mul3A_44 = vector.broadcast %mul3A_43 : i32 to vector<448x1xi32>
    %mul3A_45 = arith.muli %mul3A_44, %iota3A : vector<448x1xi32>
    %add3A_46 = vector.broadcast %mul3A_42 : i32 to vector<448x1xi32>
    %add3A_47 = arith.addi %add3A_46, %mul3A_45 : vector<448x1xi32>
    %add3A_48 = arith.constant 0 : i32
    %add3A_49 = vector.broadcast %add3A_48 : i32 to vector<448x1xi32>
    %add3A_50 = arith.addi %add3A_47, %add3A_49 : vector<448x1xi32>
    %lt3A = arith.constant 100000 : i32
    %lt3A_51 = vector.broadcast %lt3A : i32 to vector<448x1xi32>
    %lt3A_52 = arith.cmpi slt, %add3A_50, %lt3A_51 : vector<448x1xi32>
    %jit3A = arith.constant 0.000000e+00 : f32
    %broadcast_in_dim3A_53 = vector.shape_cast %lt3A_52 : vector<448x1xi1> to vector<448x1xi1>
    %broadcast_in_dim3A_54 = vector.broadcast %broadcast_in_dim3A_53 : vector<448x1xi1> to vector<448x128xi1>
    %broadcast_in_dim3A_55 = vector.broadcast %jit3A : f32 to vector<448x128xf32>
    %select_n3A = arith.select %broadcast_in_dim3A_54, %max3A_40, %broadcast_in_dim3A_55 : vector<448x128xi1>, vector<448x128xf32>
    %slice3A_56 = vector.extract_strided_slice %add3A_28 {offsets = [0, 0], sizes = [448, 1], strides = [1, 1]} : vector<448x128xf32> to vector<448x1xf32>
    %jit3A_57 = arith.constant 0.000000e+00 : f32
    %broadcast_in_dim3A_58 = vector.broadcast %jit3A_57 : f32 to vector<448x1xf32>
    %select_n3A_59 = arith.select %lt3A_52, %slice3A_56, %broadcast_in_dim3A_58 : vector<448x1xi1>, vector<448x1xf32>
    %add3A_60 = arith.addf %broadcast_in_dim3A_32, %select_n3A : vector<448x128xf32>
    %mul3A_61 = vector.broadcast %select_n3A_59 : vector<448x1xf32> to vector<448x128xf32>
    %mul3A_62 = arith.mulf %mul3A_61, %select_n3A : vector<448x128xf32>
    %add3A_63 = arith.addf %broadcast_in_dim3A_34, %mul3A_62 : vector<448x128xf32>
    %slice3A_64 = vector.extract_strided_slice %mul3A {offsets = [0, 16], sizes = [448, 16], strides = [1, 1]} : vector<448x128xf32> to vector<448x16xf32>
    %slice3A_65 = vector.extract_strided_slice %get3A_19 {offsets = [0, 16], sizes = [448, 16], strides = [1, 1]} : vector<448x128xf32> to vector<448x16xf32>
    %concatenate3A_66 = tpu.concatenate %slice3A_64, %slice3A_65 in 1 : vector<448x16xf32>, vector<448x16xf32> -> vector<448x32xf32>
    %dot_general3A_67 = arith.constant dense<0.000000e+00> : vector<448x128xf32>
    %dot_general3A_68 = tpu.matmul %concatenate3A_66, %get3A_31, %dot_general3A_67 {dimension_numbers = #tpu.dot_dimension_numbers<[1], [0], [0], [1], [0, 0, 1, 1], [], []>, precision = #tpu.contract_precision<fp32>, transpose_lhs_hint = false} : vector<448x32xf32>, vector<32x128xf32>, vector<448x128xf32> -> vector<448x128xf32>
    %max3A_69 = arith.constant 0.000000e+00 : f32
    %max3A_70 = vector.broadcast %max3A_69 : f32 to vector<448x128xf32>
    %max3A_71 = arith.maximumf %dot_general3A_68, %max3A_70 : vector<448x128xf32>
    %mul3A_72 = arith.constant 3584 : i32
    %mul3A_73 = arith.muli %arg0, %mul3A_72 : i32
    %iota3A_74 = tpu.iota {dimensions = array<i32: 0>} : vector<448x1xi32>
    %mul3A_75 = arith.constant 8 : i32
    %mul3A_76 = vector.broadcast %mul3A_75 : i32 to vector<448x1xi32>
    %mul3A_77 = arith.muli %mul3A_76, %iota3A_74 : vector<448x1xi32>
    %add3A_78 = vector.broadcast %mul3A_73 : i32 to vector<448x1xi32>
    %add3A_79 = arith.addi %add3A_78, %mul3A_77 : vector<448x1xi32>
    %add3A_80 = arith.constant 1 : i32
    %add3A_81 = vector.broadcast %add3A_80 : i32 to vector<448x1xi32>
    %add3A_82 = arith.addi %add3A_79, %add3A_81 : vector<448x1xi32>
    %lt3A_83 = arith.constant 100000 : i32
    %lt3A_84 = vector.broadcast %lt3A_83 : i32 to vector<448x1xi32>
    %lt3A_85 = arith.cmpi slt, %add3A_82, %lt3A_84 : vector<448x1xi32>
    %jit3A_86 = arith.constant 0.000000e+00 : f32
    %broadcast_in_dim3A_87 = vector.shape_cast %lt3A_85 : vector<448x1xi1> to vector<448x1xi1>
    %broadcast_in_dim3A_88 = vector.broadcast %broadcast_in_dim3A_87 : vector<448x1xi1> to vector<448x128xi1>
    %broadcast_in_dim3A_89 = vector.broadcast %jit3A_86 : f32 to vector<448x128xf32>
    %select_n3A_90 = arith.select %broadcast_in_dim3A_88, %max3A_71, %broadcast_in_dim3A_89 : vector<448x128xi1>, vector<448x128xf32>
    %slice3A_91 = vector.extract_strided_slice %add3A_28 {offsets = [0, 16], sizes = [448, 1], strides = [1, 1]} : vector<448x128xf32> to vector<448x1xf32>
    %jit3A_92 = arith.constant 0.000000e+00 : f32
    %broadcast_in_dim3A_93 = vector.broadcast %jit3A_92 : f32 to vector<448x1xf32>
    %select_n3A_94 = arith.select %lt3A_85, %slice3A_91, %broadcast_in_dim3A_93 : vector<448x1xi1>, vector<448x1xf32>
    %add3A_95 = arith.addf %add3A_60, %select_n3A_90 : vector<448x128xf32>
    %mul3A_96 = vector.broadcast %select_n3A_94 : vector<448x1xf32> to vector<448x128xf32>
    %mul3A_97 = arith.mulf %mul3A_96, %select_n3A_90 : vector<448x128xf32>
    %add3A_98 = arith.addf %add3A_63, %mul3A_97 : vector<448x128xf32>
    %slice3A_99 = vector.extract_strided_slice %mul3A {offsets = [0, 32], sizes = [448, 16], strides = [1, 1]} : vector<448x128xf32> to vector<448x16xf32>
    %slice3A_100 = vector.extract_strided_slice %get3A_19 {offsets = [0, 32], sizes = [448, 16], strides = [1, 1]} : vector<448x128xf32> to vector<448x16xf32>
    %concatenate3A_101 = tpu.concatenate %slice3A_99, %slice3A_100 in 1 : vector<448x16xf32>, vector<448x16xf32> -> vector<448x32xf32>
    %dot_general3A_102 = arith.constant dense<0.000000e+00> : vector<448x128xf32>
    %dot_general3A_103 = tpu.matmul %concatenate3A_101, %get3A_31, %dot_general3A_102 {dimension_numbers = #tpu.dot_dimension_numbers<[1], [0], [0], [1], [0, 0, 1, 1], [], []>, precision = #tpu.contract_precision<fp32>, transpose_lhs_hint = false} : vector<448x32xf32>, vector<32x128xf32>, vector<448x128xf32> -> vector<448x128xf32>
    %max3A_104 = arith.constant 0.000000e+00 : f32
    %max3A_105 = vector.broadcast %max3A_104 : f32 to vector<448x128xf32>
    %max3A_106 = arith.maximumf %dot_general3A_103, %max3A_105 : vector<448x128xf32>
    %mul3A_107 = arith.constant 3584 : i32
    %mul3A_108 = arith.muli %arg0, %mul3A_107 : i32
    %iota3A_109 = tpu.iota {dimensions = array<i32: 0>} : vector<448x1xi32>
    %mul3A_110 = arith.constant 8 : i32
    %mul3A_111 = vector.broadcast %mul3A_110 : i32 to vector<448x1xi32>
    %mul3A_112 = arith.muli %mul3A_111, %iota3A_109 : vector<448x1xi32>
    %add3A_113 = vector.broadcast %mul3A_108 : i32 to vector<448x1xi32>
    %add3A_114 = arith.addi %add3A_113, %mul3A_112 : vector<448x1xi32>
    %add3A_115 = arith.constant 2 : i32
    %add3A_116 = vector.broadcast %add3A_115 : i32 to vector<448x1xi32>
    %add3A_117 = arith.addi %add3A_114, %add3A_116 : vector<448x1xi32>
    %lt3A_118 = arith.constant 100000 : i32
    %lt3A_119 = vector.broadcast %lt3A_118 : i32 to vector<448x1xi32>
    %lt3A_120 = arith.cmpi slt, %add3A_117, %lt3A_119 : vector<448x1xi32>
    %jit3A_121 = arith.constant 0.000000e+00 : f32
    %broadcast_in_dim3A_122 = vector.shape_cast %lt3A_120 : vector<448x1xi1> to vector<448x1xi1>
    %broadcast_in_dim3A_123 = vector.broadcast %broadcast_in_dim3A_122 : vector<448x1xi1> to vector<448x128xi1>
    %broadcast_in_dim3A_124 = vector.broadcast %jit3A_121 : f32 to vector<448x128xf32>
    %select_n3A_125 = arith.select %broadcast_in_dim3A_123, %max3A_106, %broadcast_in_dim3A_124 : vector<448x128xi1>, vector<448x128xf32>
    %slice3A_126 = vector.extract_strided_slice %add3A_28 {offsets = [0, 32], sizes = [448, 1], strides = [1, 1]} : vector<448x128xf32> to vector<448x1xf32>
    %jit3A_127 = arith.constant 0.000000e+00 : f32
    %broadcast_in_dim3A_128 = vector.broadcast %jit3A_127 : f32 to vector<448x1xf32>
    %select_n3A_129 = arith.select %lt3A_120, %slice3A_126, %broadcast_in_dim3A_128 : vector<448x1xi1>, vector<448x1xf32>
    %add3A_130 = arith.addf %add3A_95, %select_n3A_125 : vector<448x128xf32>
    %mul3A_131 = vector.broadcast %select_n3A_129 : vector<448x1xf32> to vector<448x128xf32>
    %mul3A_132 = arith.mulf %mul3A_131, %select_n3A_125 : vector<448x128xf32>
    %add3A_133 = arith.addf %add3A_98, %mul3A_132 : vector<448x128xf32>
    %slice3A_134 = vector.extract_strided_slice %mul3A {offsets = [0, 48], sizes = [448, 16], strides = [1, 1]} : vector<448x128xf32> to vector<448x16xf32>
    %slice3A_135 = vector.extract_strided_slice %get3A_19 {offsets = [0, 48], sizes = [448, 16], strides = [1, 1]} : vector<448x128xf32> to vector<448x16xf32>
    %concatenate3A_136 = tpu.concatenate %slice3A_134, %slice3A_135 in 1 : vector<448x16xf32>, vector<448x16xf32> -> vector<448x32xf32>
    %dot_general3A_137 = arith.constant dense<0.000000e+00> : vector<448x128xf32>
    %dot_general3A_138 = tpu.matmul %concatenate3A_136, %get3A_31, %dot_general3A_137 {dimension_numbers = #tpu.dot_dimension_numbers<[1], [0], [0], [1], [0, 0, 1, 1], [], []>, precision = #tpu.contract_precision<fp32>, transpose_lhs_hint = false} : vector<448x32xf32>, vector<32x128xf32>, vector<448x128xf32> -> vector<448x128xf32>
    %max3A_139 = arith.constant 0.000000e+00 : f32
    %max3A_140 = vector.broadcast %max3A_139 : f32 to vector<448x128xf32>
    %max3A_141 = arith.maximumf %dot_general3A_138, %max3A_140 : vector<448x128xf32>
    %mul3A_142 = arith.constant 3584 : i32
    %mul3A_143 = arith.muli %arg0, %mul3A_142 : i32
    %iota3A_144 = tpu.iota {dimensions = array<i32: 0>} : vector<448x1xi32>
    %mul3A_145 = arith.constant 8 : i32
    %mul3A_146 = vector.broadcast %mul3A_145 : i32 to vector<448x1xi32>
    %mul3A_147 = arith.muli %mul3A_146, %iota3A_144 : vector<448x1xi32>
    %add3A_148 = vector.broadcast %mul3A_143 : i32 to vector<448x1xi32>
    %add3A_149 = arith.addi %add3A_148, %mul3A_147 : vector<448x1xi32>
    %add3A_150 = arith.constant 3 : i32
    %add3A_151 = vector.broadcast %add3A_150 : i32 to vector<448x1xi32>
    %add3A_152 = arith.addi %add3A_149, %add3A_151 : vector<448x1xi32>
    %lt3A_153 = arith.constant 100000 : i32
    %lt3A_154 = vector.broadcast %lt3A_153 : i32 to vector<448x1xi32>
    %lt3A_155 = arith.cmpi slt, %add3A_152, %lt3A_154 : vector<448x1xi32>
    %jit3A_156 = arith.constant 0.000000e+00 : f32
    %broadcast_in_dim3A_157 = vector.shape_cast %lt3A_155 : vector<448x1xi1> to vector<448x1xi1>
    %broadcast_in_dim3A_158 = vector.broadcast %broadcast_in_dim3A_157 : vector<448x1xi1> to vector<448x128xi1>
    %broadcast_in_dim3A_159 = vector.broadcast %jit3A_156 : f32 to vector<448x128xf32>
    %select_n3A_160 = arith.select %broadcast_in_dim3A_158, %max3A_141, %broadcast_in_dim3A_159 : vector<448x128xi1>, vector<448x128xf32>
    %slice3A_161 = vector.extract_strided_slice %add3A_28 {offsets = [0, 48], sizes = [448, 1], strides = [1, 1]} : vector<448x128xf32> to vector<448x1xf32>
    %jit3A_162 = arith.constant 0.000000e+00 : f32
    %broadcast_in_dim3A_163 = vector.broadcast %jit3A_162 : f32 to vector<448x1xf32>
    %select_n3A_164 = arith.select %lt3A_155, %slice3A_161, %broadcast_in_dim3A_163 : vector<448x1xi1>, vector<448x1xf32>
    %add3A_165 = arith.addf %add3A_130, %select_n3A_160 : vector<448x128xf32>
    %mul3A_166 = vector.broadcast %select_n3A_164 : vector<448x1xf32> to vector<448x128xf32>
    %mul3A_167 = arith.mulf %mul3A_166, %select_n3A_160 : vector<448x128xf32>
    %add3A_168 = arith.addf %add3A_133, %mul3A_167 : vector<448x128xf32>
    %slice3A_169 = vector.extract_strided_slice %mul3A {offsets = [0, 64], sizes = [448, 16], strides = [1, 1]} : vector<448x128xf32> to vector<448x16xf32>
    %slice3A_170 = vector.extract_strided_slice %get3A_19 {offsets = [0, 64], sizes = [448, 16], strides = [1, 1]} : vector<448x128xf32> to vector<448x16xf32>
    %concatenate3A_171 = tpu.concatenate %slice3A_169, %slice3A_170 in 1 : vector<448x16xf32>, vector<448x16xf32> -> vector<448x32xf32>
    %dot_general3A_172 = arith.constant dense<0.000000e+00> : vector<448x128xf32>
    %dot_general3A_173 = tpu.matmul %concatenate3A_171, %get3A_31, %dot_general3A_172 {dimension_numbers = #tpu.dot_dimension_numbers<[1], [0], [0], [1], [0, 0, 1, 1], [], []>, precision = #tpu.contract_precision<fp32>, transpose_lhs_hint = false} : vector<448x32xf32>, vector<32x128xf32>, vector<448x128xf32> -> vector<448x128xf32>
    %max3A_174 = arith.constant 0.000000e+00 : f32
    %max3A_175 = vector.broadcast %max3A_174 : f32 to vector<448x128xf32>
    %max3A_176 = arith.maximumf %dot_general3A_173, %max3A_175 : vector<448x128xf32>
    %mul3A_177 = arith.constant 3584 : i32
    %mul3A_178 = arith.muli %arg0, %mul3A_177 : i32
    %iota3A_179 = tpu.iota {dimensions = array<i32: 0>} : vector<448x1xi32>
    %mul3A_180 = arith.constant 8 : i32
    %mul3A_181 = vector.broadcast %mul3A_180 : i32 to vector<448x1xi32>
    %mul3A_182 = arith.muli %mul3A_181, %iota3A_179 : vector<448x1xi32>
    %add3A_183 = vector.broadcast %mul3A_178 : i32 to vector<448x1xi32>
    %add3A_184 = arith.addi %add3A_183, %mul3A_182 : vector<448x1xi32>
    %add3A_185 = arith.constant 4 : i32
    %add3A_186 = vector.broadcast %add3A_185 : i32 to vector<448x1xi32>
    %add3A_187 = arith.addi %add3A_184, %add3A_186 : vector<448x1xi32>
    %lt3A_188 = arith.constant 100000 : i32
    %lt3A_189 = vector.broadcast %lt3A_188 : i32 to vector<448x1xi32>
    %lt3A_190 = arith.cmpi slt, %add3A_187, %lt3A_189 : vector<448x1xi32>
    %jit3A_191 = arith.constant 0.000000e+00 : f32
    %broadcast_in_dim3A_192 = vector.shape_cast %lt3A_190 : vector<448x1xi1> to vector<448x1xi1>
    %broadcast_in_dim3A_193 = vector.broadcast %broadcast_in_dim3A_192 : vector<448x1xi1> to vector<448x128xi1>
    %broadcast_in_dim3A_194 = vector.broadcast %jit3A_191 : f32 to vector<448x128xf32>
    %select_n3A_195 = arith.select %broadcast_in_dim3A_193, %max3A_176, %broadcast_in_dim3A_194 : vector<448x128xi1>, vector<448x128xf32>
    %slice3A_196 = vector.extract_strided_slice %add3A_28 {offsets = [0, 64], sizes = [448, 1], strides = [1, 1]} : vector<448x128xf32> to vector<448x1xf32>
    %jit3A_197 = arith.constant 0.000000e+00 : f32
    %broadcast_in_dim3A_198 = vector.broadcast %jit3A_197 : f32 to vector<448x1xf32>
    %select_n3A_199 = arith.select %lt3A_190, %slice3A_196, %broadcast_in_dim3A_198 : vector<448x1xi1>, vector<448x1xf32>
    %add3A_200 = arith.addf %add3A_165, %select_n3A_195 : vector<448x128xf32>
    %mul3A_201 = vector.broadcast %select_n3A_199 : vector<448x1xf32> to vector<448x128xf32>
    %mul3A_202 = arith.mulf %mul3A_201, %select_n3A_195 : vector<448x128xf32>
    %add3A_203 = arith.addf %add3A_168, %mul3A_202 : vector<448x128xf32>
    %slice3A_204 = vector.extract_strided_slice %mul3A {offsets = [0, 80], sizes = [448, 16], strides = [1, 1]} : vector<448x128xf32> to vector<448x16xf32>
    %slice3A_205 = vector.extract_strided_slice %get3A_19 {offsets = [0, 80], sizes = [448, 16], strides = [1, 1]} : vector<448x128xf32> to vector<448x16xf32>
    %concatenate3A_206 = tpu.concatenate %slice3A_204, %slice3A_205 in 1 : vector<448x16xf32>, vector<448x16xf32> -> vector<448x32xf32>
    %dot_general3A_207 = arith.constant dense<0.000000e+00> : vector<448x128xf32>
    %dot_general3A_208 = tpu.matmul %concatenate3A_206, %get3A_31, %dot_general3A_207 {dimension_numbers = #tpu.dot_dimension_numbers<[1], [0], [0], [1], [0, 0, 1, 1], [], []>, precision = #tpu.contract_precision<fp32>, transpose_lhs_hint = false} : vector<448x32xf32>, vector<32x128xf32>, vector<448x128xf32> -> vector<448x128xf32>
    %max3A_209 = arith.constant 0.000000e+00 : f32
    %max3A_210 = vector.broadcast %max3A_209 : f32 to vector<448x128xf32>
    %max3A_211 = arith.maximumf %dot_general3A_208, %max3A_210 : vector<448x128xf32>
    %mul3A_212 = arith.constant 3584 : i32
    %mul3A_213 = arith.muli %arg0, %mul3A_212 : i32
    %iota3A_214 = tpu.iota {dimensions = array<i32: 0>} : vector<448x1xi32>
    %mul3A_215 = arith.constant 8 : i32
    %mul3A_216 = vector.broadcast %mul3A_215 : i32 to vector<448x1xi32>
    %mul3A_217 = arith.muli %mul3A_216, %iota3A_214 : vector<448x1xi32>
    %add3A_218 = vector.broadcast %mul3A_213 : i32 to vector<448x1xi32>
    %add3A_219 = arith.addi %add3A_218, %mul3A_217 : vector<448x1xi32>
    %add3A_220 = arith.constant 5 : i32
    %add3A_221 = vector.broadcast %add3A_220 : i32 to vector<448x1xi32>
    %add3A_222 = arith.addi %add3A_219, %add3A_221 : vector<448x1xi32>
    %lt3A_223 = arith.constant 100000 : i32
    %lt3A_224 = vector.broadcast %lt3A_223 : i32 to vector<448x1xi32>
    %lt3A_225 = arith.cmpi slt, %add3A_222, %lt3A_224 : vector<448x1xi32>
    %jit3A_226 = arith.constant 0.000000e+00 : f32
    %broadcast_in_dim3A_227 = vector.shape_cast %lt3A_225 : vector<448x1xi1> to vector<448x1xi1>
    %broadcast_in_dim3A_228 = vector.broadcast %broadcast_in_dim3A_227 : vector<448x1xi1> to vector<448x128xi1>
    %broadcast_in_dim3A_229 = vector.broadcast %jit3A_226 : f32 to vector<448x128xf32>
    %select_n3A_230 = arith.select %broadcast_in_dim3A_228, %max3A_211, %broadcast_in_dim3A_229 : vector<448x128xi1>, vector<448x128xf32>
    %slice3A_231 = vector.extract_strided_slice %add3A_28 {offsets = [0, 80], sizes = [448, 1], strides = [1, 1]} : vector<448x128xf32> to vector<448x1xf32>
    %jit3A_232 = arith.constant 0.000000e+00 : f32
    %broadcast_in_dim3A_233 = vector.broadcast %jit3A_232 : f32 to vector<448x1xf32>
    %select_n3A_234 = arith.select %lt3A_225, %slice3A_231, %broadcast_in_dim3A_233 : vector<448x1xi1>, vector<448x1xf32>
    %add3A_235 = arith.addf %add3A_200, %select_n3A_230 : vector<448x128xf32>
    %mul3A_236 = vector.broadcast %select_n3A_234 : vector<448x1xf32> to vector<448x128xf32>
    %mul3A_237 = arith.mulf %mul3A_236, %select_n3A_230 : vector<448x128xf32>
    %add3A_238 = arith.addf %add3A_203, %mul3A_237 : vector<448x128xf32>
    %slice3A_239 = vector.extract_strided_slice %mul3A {offsets = [0, 96], sizes = [448, 16], strides = [1, 1]} : vector<448x128xf32> to vector<448x16xf32>
    %slice3A_240 = vector.extract_strided_slice %get3A_19 {offsets = [0, 96], sizes = [448, 16], strides = [1, 1]} : vector<448x128xf32> to vector<448x16xf32>
    %concatenate3A_241 = tpu.concatenate %slice3A_239, %slice3A_240 in 1 : vector<448x16xf32>, vector<448x16xf32> -> vector<448x32xf32>
    %dot_general3A_242 = arith.constant dense<0.000000e+00> : vector<448x128xf32>
    %dot_general3A_243 = tpu.matmul %concatenate3A_241, %get3A_31, %dot_general3A_242 {dimension_numbers = #tpu.dot_dimension_numbers<[1], [0], [0], [1], [0, 0, 1, 1], [], []>, precision = #tpu.contract_precision<fp32>, transpose_lhs_hint = false} : vector<448x32xf32>, vector<32x128xf32>, vector<448x128xf32> -> vector<448x128xf32>
    %max3A_244 = arith.constant 0.000000e+00 : f32
    %max3A_245 = vector.broadcast %max3A_244 : f32 to vector<448x128xf32>
    %max3A_246 = arith.maximumf %dot_general3A_243, %max3A_245 : vector<448x128xf32>
    %mul3A_247 = arith.constant 3584 : i32
    %mul3A_248 = arith.muli %arg0, %mul3A_247 : i32
    %iota3A_249 = tpu.iota {dimensions = array<i32: 0>} : vector<448x1xi32>
    %mul3A_250 = arith.constant 8 : i32
    %mul3A_251 = vector.broadcast %mul3A_250 : i32 to vector<448x1xi32>
    %mul3A_252 = arith.muli %mul3A_251, %iota3A_249 : vector<448x1xi32>
    %add3A_253 = vector.broadcast %mul3A_248 : i32 to vector<448x1xi32>
    %add3A_254 = arith.addi %add3A_253, %mul3A_252 : vector<448x1xi32>
    %add3A_255 = arith.constant 6 : i32
    %add3A_256 = vector.broadcast %add3A_255 : i32 to vector<448x1xi32>
    %add3A_257 = arith.addi %add3A_254, %add3A_256 : vector<448x1xi32>
    %lt3A_258 = arith.constant 100000 : i32
    %lt3A_259 = vector.broadcast %lt3A_258 : i32 to vector<448x1xi32>
    %lt3A_260 = arith.cmpi slt, %add3A_257, %lt3A_259 : vector<448x1xi32>
    %jit3A_261 = arith.constant 0.000000e+00 : f32
    %broadcast_in_dim3A_262 = vector.shape_cast %lt3A_260 : vector<448x1xi1> to vector<448x1xi1>
    %broadcast_in_dim3A_263 = vector.broadcast %broadcast_in_dim3A_262 : vector<448x1xi1> to vector<448x128xi1>
    %broadcast_in_dim3A_264 = vector.broadcast %jit3A_261 : f32 to vector<448x128xf32>
    %select_n3A_265 = arith.select %broadcast_in_dim3A_263, %max3A_246, %broadcast_in_dim3A_264 : vector<448x128xi1>, vector<448x128xf32>
    %slice3A_266 = vector.extract_strided_slice %add3A_28 {offsets = [0, 96], sizes = [448, 1], strides = [1, 1]} : vector<448x128xf32> to vector<448x1xf32>
    %jit3A_267 = arith.constant 0.000000e+00 : f32
    %broadcast_in_dim3A_268 = vector.broadcast %jit3A_267 : f32 to vector<448x1xf32>
    %select_n3A_269 = arith.select %lt3A_260, %slice3A_266, %broadcast_in_dim3A_268 : vector<448x1xi1>, vector<448x1xf32>
    %add3A_270 = arith.addf %add3A_235, %select_n3A_265 : vector<448x128xf32>
    %mul3A_271 = vector.broadcast %select_n3A_269 : vector<448x1xf32> to vector<448x128xf32>
    %mul3A_272 = arith.mulf %mul3A_271, %select_n3A_265 : vector<448x128xf32>
    %add3A_273 = arith.addf %add3A_238, %mul3A_272 : vector<448x128xf32>
    %slice3A_274 = vector.extract_strided_slice %mul3A {offsets = [0, 112], sizes = [448, 16], strides = [1, 1]} : vector<448x128xf32> to vector<448x16xf32>
    %slice3A_275 = vector.extract_strided_slice %get3A_19 {offsets = [0, 112], sizes = [448, 16], strides = [1, 1]} : vector<448x128xf32> to vector<448x16xf32>
    %concatenate3A_276 = tpu.concatenate %slice3A_274, %slice3A_275 in 1 : vector<448x16xf32>, vector<448x16xf32> -> vector<448x32xf32>
    %dot_general3A_277 = arith.constant dense<0.000000e+00> : vector<448x128xf32>
    %dot_general3A_278 = tpu.matmul %concatenate3A_276, %get3A_31, %dot_general3A_277 {dimension_numbers = #tpu.dot_dimension_numbers<[1], [0], [0], [1], [0, 0, 1, 1], [], []>, precision = #tpu.contract_precision<fp32>, transpose_lhs_hint = false} : vector<448x32xf32>, vector<32x128xf32>, vector<448x128xf32> -> vector<448x128xf32>
    %max3A_279 = arith.constant 0.000000e+00 : f32
    %max3A_280 = vector.broadcast %max3A_279 : f32 to vector<448x128xf32>
    %max3A_281 = arith.maximumf %dot_general3A_278, %max3A_280 : vector<448x128xf32>
    %mul3A_282 = arith.constant 3584 : i32
    %mul3A_283 = arith.muli %arg0, %mul3A_282 : i32
    %iota3A_284 = tpu.iota {dimensions = array<i32: 0>} : vector<448x1xi32>
    %mul3A_285 = arith.constant 8 : i32
    %mul3A_286 = vector.broadcast %mul3A_285 : i32 to vector<448x1xi32>
    %mul3A_287 = arith.muli %mul3A_286, %iota3A_284 : vector<448x1xi32>
    %add3A_288 = vector.broadcast %mul3A_283 : i32 to vector<448x1xi32>
    %add3A_289 = arith.addi %add3A_288, %mul3A_287 : vector<448x1xi32>
    %add3A_290 = arith.constant 7 : i32
    %add3A_291 = vector.broadcast %add3A_290 : i32 to vector<448x1xi32>
    %add3A_292 = arith.addi %add3A_289, %add3A_291 : vector<448x1xi32>
    %lt3A_293 = arith.constant 100000 : i32
    %lt3A_294 = vector.broadcast %lt3A_293 : i32 to vector<448x1xi32>
    %lt3A_295 = arith.cmpi slt, %add3A_292, %lt3A_294 : vector<448x1xi32>
    %jit3A_296 = arith.constant 0.000000e+00 : f32
    %broadcast_in_dim3A_297 = vector.shape_cast %lt3A_295 : vector<448x1xi1> to vector<448x1xi1>
    %broadcast_in_dim3A_298 = vector.broadcast %broadcast_in_dim3A_297 : vector<448x1xi1> to vector<448x128xi1>
    %broadcast_in_dim3A_299 = vector.broadcast %jit3A_296 : f32 to vector<448x128xf32>
    %select_n3A_300 = arith.select %broadcast_in_dim3A_298, %max3A_281, %broadcast_in_dim3A_299 : vector<448x128xi1>, vector<448x128xf32>
    %slice3A_301 = vector.extract_strided_slice %add3A_28 {offsets = [0, 112], sizes = [448, 1], strides = [1, 1]} : vector<448x128xf32> to vector<448x1xf32>
    %jit3A_302 = arith.constant 0.000000e+00 : f32
    %broadcast_in_dim3A_303 = vector.broadcast %jit3A_302 : f32 to vector<448x1xf32>
    %select_n3A_304 = arith.select %lt3A_295, %slice3A_301, %broadcast_in_dim3A_303 : vector<448x1xi1>, vector<448x1xf32>
    %add3A_305 = arith.addf %add3A_270, %select_n3A_300 : vector<448x128xf32>
    %mul3A_306 = vector.broadcast %select_n3A_304 : vector<448x1xf32> to vector<448x128xf32>
    %mul3A_307 = arith.mulf %mul3A_306, %select_n3A_300 : vector<448x128xf32>
    %add3A_308 = arith.addf %add3A_273, %mul3A_307 : vector<448x128xf32>
    %get3A_309 = arith.constant 0 : index
    %get3A_310 = arith.constant 0 : index
    %get3A_311 = vector.load %arg10[%get3A_309, %get3A_310] : memref<8x128xf32, #tpu.memory_space<vmem>>, vector<1x128xf32>
    %reduce_sum3A = arith.constant dense<0.000000e+00> : vector<128xf32>
    %reduce_sum3A_312 = vector.multi_reduction <add>, %add3A_308, %reduce_sum3A [0] : vector<448x128xf32> to vector<128xf32>
    %broadcast_in_dim3A_313 = vector.shape_cast %reduce_sum3A_312 : vector<128xf32> to vector<1x128xf32>
    %add3A_314 = arith.addf %get3A_311, %broadcast_in_dim3A_313 : vector<1x128xf32>
    %swap3A = arith.constant 0 : index
    %swap3A_315 = arith.constant 0 : index
    %swap3A_316 = vector.load %arg10[%swap3A, %swap3A_315] : memref<8x128xf32, #tpu.memory_space<vmem>>, vector<1x128xf32>
    tpu.vector_store %arg10[%swap3A, %swap3A_315], %add3A_314 {strides = array<i32>} : memref<8x128xf32, #tpu.memory_space<vmem>>, vector<1x128xf32>,
    %get3A_317 = arith.constant 1 : index
    %get3A_318 = arith.constant 0 : index
    %get3A_319 = vector.load %arg10[%get3A_317, %get3A_318] : memref<8x128xf32, #tpu.memory_space<vmem>>, vector<1x128xf32>
    %reduce_sum3A_320 = arith.constant dense<0.000000e+00> : vector<128xf32>
    %reduce_sum3A_321 = vector.multi_reduction <add>, %add3A_305, %reduce_sum3A_320 [0] : vector<448x128xf32> to vector<128xf32>
    %broadcast_in_dim3A_322 = vector.shape_cast %reduce_sum3A_321 : vector<128xf32> to vector<1x128xf32>
    %add3A_323 = arith.addf %get3A_319, %broadcast_in_dim3A_322 : vector<1x128xf32>
    %swap3A_324 = arith.constant 1 : index
    %swap3A_325 = arith.constant 0 : index
    %swap3A_326 = vector.load %arg10[%swap3A_324, %swap3A_325] : memref<8x128xf32, #tpu.memory_space<vmem>>, vector<1x128xf32>
    tpu.vector_store %arg10[%swap3A_324, %swap3A_325], %add3A_323 {strides = array<i32>} : memref<8x128xf32, #tpu.memory_space<vmem>>, vector<1x128xf32>,
    %eq3A_327 = arith.constant 27 : i32
    %eq3A_328 = arith.cmpi eq, %arg0, %eq3A_327 : i32
    %convert_element_type3A_329 = arith.extui %eq3A_328 : i1 to i32
    %cond3A_330 = arith.constant 0 : i32
    %cond3A_331 = arith.cmpi ne, %convert_element_type3A_329, %cond3A_330 : i32
    scf.if %cond3A_331 {
      %get3A_332 = arith.constant 0 : index
      %get3A_333 = arith.constant 0 : index
      %get3A_334 = vector.load %arg10[%get3A_332, %get3A_333] : memref<8x128xf32, #tpu.memory_space<vmem>>, vector<1x128xf32>
      %mul3A_335 = arith.constant 9.99999974E-6 : f32
      %mul3A_336 = vector.broadcast %mul3A_335 : f32 to vector<1x128xf32>
      %mul3A_337 = arith.mulf %get3A_334, %mul3A_336 : vector<1x128xf32>
      %get3A_338 = arith.constant 1 : index
      %get3A_339 = arith.constant 0 : index
      %get3A_340 = vector.load %arg10[%get3A_338, %get3A_339] : memref<8x128xf32, #tpu.memory_space<vmem>>, vector<1x128xf32>
      %mul3A_341 = arith.constant 9.99999974E-6 : f32
      %mul3A_342 = vector.broadcast %mul3A_341 : f32 to vector<1x128xf32>
      %mul3A_343 = arith.mulf %get3A_340, %mul3A_342 : vector<1x128xf32>
      %get3A_344 = arith.constant 0 : index
      %get3A_345 = arith.constant 0 : index
      %get3A_346 = vector.load %arg6[%get3A_344, %get3A_345] : memref<128x128xf32, #tpu.memory_space<vmem>>, vector<128x128xf32>
      %dot_general3A_347 = arith.constant dense<0.000000e+00> : vector<1x128xf32>
      %dot_general3A_348 = tpu.matmul %mul3A_337, %get3A_346, %dot_general3A_347 {dimension_numbers = #tpu.dot_dimension_numbers<[1], [0], [0], [1], [0, 0, 1, 1], [], []>, precision = #tpu.contract_precision<fp32>, transpose_lhs_hint = false} : vector<1x128xf32>, vector<128x128xf32>, vector<1x128xf32> -> vector<1x128xf32>
      %get3A_349 = arith.constant 0 : index
      %get3A_350 = arith.constant 0 : index
      %get3A_351 = vector.load %arg7[%get3A_349, %get3A_350] : memref<128x128xf32, #tpu.memory_space<vmem>>, vector<128x128xf32>
      %dot_general3A_352 = arith.constant dense<0.000000e+00> : vector<1x128xf32>
      %dot_general3A_353 = tpu.matmul %mul3A_343, %get3A_351, %dot_general3A_352 {dimension_numbers = #tpu.dot_dimension_numbers<[1], [0], [0], [1], [0, 0, 1, 1], [], []>, precision = #tpu.contract_precision<fp32>, transpose_lhs_hint = false} : vector<1x128xf32>, vector<128x128xf32>, vector<1x128xf32> -> vector<1x128xf32>
      %add3A_354 = arith.addf %dot_general3A_348, %dot_general3A_353 : vector<1x128xf32>
      %get3A_355 = arith.constant 0 : index
      %get3A_356 = arith.constant 0 : index
      %get3A_357 = vector.load %arg8[%get3A_355, %get3A_356] : memref<1x128xf32, #tpu.memory_space<vmem>>, vector<1x128xf32>
      %add3A_358 = arith.addf %add3A_354, %get3A_357 : vector<1x128xf32>
      %swap3A_359 = arith.constant 0 : index
      %swap3A_360 = arith.constant 0 : index
      %swap3A_361 = vector.load %arg9[%swap3A_359, %swap3A_360] : memref<1x128xf32, #tpu.memory_space<vmem>>, vector<1x128xf32>
      tpu.vector_store %arg9[%swap3A_359, %swap3A_360], %add3A_358 {strides = array<i32>} : memref<1x128xf32, #tpu.memory_space<vmem>>, vector<1x128xf32>,
    } else {
    }
    return
  }
  func.func @transform_0(%arg0: i32) -> (i32, i32, i32) {
    %c0_i32 = arith.constant 0 : i32
    %c0_i32_0 = arith.constant 0 : i32
    %c0_i32_1 = arith.constant 0 : i32
    return %c0_i32, %arg0, %c0_i32_0 : i32, i32, i32
  }
  func.func @transform_1(%arg0: i32) -> (i32, i32) {
    %c0_i32 = arith.constant 0 : i32
    %c0_i32_0 = arith.constant 0 : i32
    return %arg0, %c0_i32 : i32, i32
  }
  func.func @transform_2(%arg0: i32) -> (i32, i32, i32) {
    %c0_i32 = arith.constant 0 : i32
    %c0_i32_0 = arith.constant 0 : i32
    %c0_i32_1 = arith.constant 0 : i32
    return %c0_i32, %arg0, %c0_i32_0 : i32, i32, i32
  }
  func.func @transform_3(%arg0: i32) -> (i32, i32) {
    %c0_i32 = arith.constant 0 : i32
    %c0_i32_0 = arith.constant 0 : i32
    return %arg0, %c0_i32 : i32, i32
  }
  func.func @transform_4(%arg0: i32) -> (i32, i32) {
    %c0_i32 = arith.constant 0 : i32
    %c0_i32_0 = arith.constant 0 : i32
    %c0_i32_1 = arith.constant 0 : i32
    return %c0_i32, %c0_i32_0 : i32, i32
  }
  func.func @transform_5(%arg0: i32) -> (i32, i32) {
    %c0_i32 = arith.constant 0 : i32
    %c0_i32_0 = arith.constant 0 : i32
    %c0_i32_1 = arith.constant 0 : i32
    return %c0_i32, %c0_i32_0 : i32, i32
  }
  func.func @transform_6(%arg0: i32) -> (i32, i32) {
    %c0_i32 = arith.constant 0 : i32
    %c0_i32_0 = arith.constant 0 : i32
    %c0_i32_1 = arith.constant 0 : i32
    return %c0_i32, %c0_i32_0 : i32, i32
  }
  func.func @transform_7(%arg0: i32) -> (i32, i32) {
    %c0_i32 = arith.constant 0 : i32
    %c0_i32_0 = arith.constant 0 : i32
    %c0_i32_1 = arith.constant 0 : i32
    return %c0_i32, %c0_i32_0 : i32, i32
  }
  func.func @transform_8(%arg0: i32) -> (i32, i32) {
    %c0_i32 = arith.constant 0 : i32
    %c0_i32_0 = arith.constant 0 : i32
    %c0_i32_1 = arith.constant 0 : i32
    return %c0_i32, %c0_i32_0 : i32, i32
  }
}

</mosaic_0001>

<sc_bundles>
// kernel: kernel.10.cloned.1.call-start
scs
__scs_entry_jumppad:
0x0: {  	(pc) =	sbr.rel $0x88, $3  }
0x1: {  	(tag) =	ssettag $0x0;
	lr =	simm.s32 $0x1  }
0x2: {  	[smem:$0x3F99] =	sst lr;
	_ =	strace $0xD0000000  }
0x3: {  	_ = 	snop  }
0x4: {  	_ = 	snop  }
0x5: {  	_ = 	snop  }
0x6: {  	_ = 	snop  }
0x7: {  	_ = 	snop  }
__scs_overlays_trampoline_lowered:
0x8: {  	[smem:$0x3FA8] =	sst s0  }
0x9: {  	[smem:$0x3FA9] =	sst s1  }
0xa: {  	[smem:$0x3FAA] =	sst s2  }
0xb: {  	[smem:$0x3FAB] =	sst s3  }
0xc: {  	[smem:$0x3FAC] =	sst s4  }
0xd: {  	[smem:$0x3FAD] =	sst s5  }
0xe: {  	[smem:$0x3FAE] =	sst s6  }
0xf: {  	[smem:$0x3FAF] =	sst s7  }
0x10: {  	[smem:$0x3FB0] =	sst s8  }
0x11: {  	[smem:$0x3FB1] =	sst s9;
	s0 =	simm.s32 @!p0 $0x0  }
0x12: {  	s1 =	sld [smem:$0x3F97];
	s0 =	simm.s32 @p0 $0x1  }
0x13: {  	[smem:$0x3FB2] =	sst s0;
	s0 =	simm.s32 @!p1 $0x0  }
0x14: {  	s2 =	sld [smem:$0x3F96];
	s0 =	simm.s32 @p1 $0x1  }
0x15: {  	[smem:$0x3FB3] =	sst s0;
	s0 =	simm.s32 @!p2 $0x0  }
0x16: {  	s3 =	sld [smem:$0x3FDB];
	s0 =	simm.s32 @p2 $0x1  }
0x17: {  	s4 =	simm.s32 $0x1BF5;
	[smem:$0x3FB5] =	sst s0  }
0x18: {  	s0 =	sld [smem:$0x3F98];
	_ =	swait.ge [sflag:s4], $0x0  }
0x19: {  	s7 =	sld [smem:$0x3F99]  }
0x1a: {  	s8 =	sadd.s32 $0xFFFFE003, lr  }
0x1b: {  	s9 =	sadd.s32 $0xFFFFFEF7, lr;
	s5 =	simm.s32 $0xFFFFFFFF;
	p2 =	slt.u32 s8, $0xFFFFF086  }
0x1c: {  	p1 =	slt.u32 s9, $0xF7A;
	s5 =	simm.s32 @!p2 $0x0  }
0x1d: {  	s5 =	simm.s32 @p1 $0x1;
	p0 =	seq.s32 s7, s2  }
0x1e: {  	s7 =	smul.u32 @!p0 $0xF7A, s2;
	p2 =	seq.s32 @!p0 s5, $0x0  }
0x1f: {  	s9 =	smul.u32 $0xF7A, s1;
	s8 =	simm.s32 @!p0 $0x1BF5;
	p2 =	por !p2, p0  }
0x20: {  	[sflag:s8] =	ssyncset.s32 @!p0 $0xFFFFF086;
	s6 =	sadd.s32 @!p0 s3, s7;
	s7 =	simm.s32 @!p0 $0x108  }
0x21: {  	s3 =	sadd.s32 s3, s9;
	s6 =	sadd.s32 @!p0 $0x88, s6;
	s7 =	simm.s32 @p2 $0x1082  }
0x22: {  	[simem:s7], [sflag:s8] =	dma.local @!p0 [hbm:s6], $0xF7A  }
0x23: {  	s9 =	sor.u32 $0xD0000000, s2;
	s6 =	simm.s32 $0x108;
	_ =	swait.ge @!p0 [sflag:s8], $0x0  }
0x24: {  	s3 =	sadd.s32 $0x88, s3;
	s6 =	simm.s32 @!p1 $0x1082;
	[sflag:s4] =	ssyncset.s32 $0xFFFFF086  }
0x25: {  	[simem:s6], [sflag:s4] =	dma.local [hbm:s3], $0xF7A  }
0x26: {  	[smem:$0x3F99] =	sst s1;
	(tag) =	ssettag s2;
	_ =	strace s9  }
0x27: {  	s1 =	sld [smem:$0x3FA9]  }
0x28: {  	s2 =	sld [smem:$0x3FAA]  }
0x29: {  	s4 =	sld [smem:$0x3FAC]  }
0x2a: {  	p0 =	seq.s32 s5, $0x0;
	s5 =	sld [smem:$0x3FAD]  }
0x2b: {  	s6 =	sld [smem:$0x3FAE]  }
0x2c: {  	s7 =	sld [smem:$0x3FAF]  }
0x2d: {  	s3 =	simm.s32 $0x108;
	s8 =	sld [smem:$0x3FB0]  }
0x2e: {  	s3 =	simm.s32 @!p0 $0x1082;
	s9 =	sld [smem:$0x3FB1]  }
0x2f: {  	lr =	sadd.s32 s0, s3;
	s0 =	sld [smem:$0x3FA8]  }
0x30: {  	s3 =	sld [smem:$0x3FAB]  }
0x31: {  	[smem:$0x3FB4] =	sst s10  }
0x32: {  	s10 =	sld [smem:$0x3FB2];
	_ =	sdelay $0x3  }
0x33: {  	p0 =	seq.s32 s10, $0x1;
	s10 =	sld [smem:$0x3FB4];
	_ =	sdelay $0x3  }
0x34: {  	[smem:$0x3FB4] =	sst s10  }
0x35: {  	s10 =	sld [smem:$0x3FB3];
	_ =	sdelay $0x3  }
0x36: {  	p1 =	seq.s32 s10, $0x1;
	s10 =	sld [smem:$0x3FB4];
	_ =	sdelay $0x3  }
0x37: {  	[smem:$0x3FB4] =	sst s10  }
0x38: {  	s10 =	sld [smem:$0x3FB5]  }
0x39: {  	_ = 	snop;
	(pc) =	sbr.ind lr, $3  }
0x3a: {  	_ = 	snop  }
0x3b: {  	_ = 	snop  }
0x3c: {  	p2 =	seq.s32 s10, $0x1;
	s10 =	sld [smem:$0x3FB4]  }
0x3d: {  	_ =	shalt  }
0x3e: {  	_ =	shalt  }
0x3f: {  	_ =	shalt  }
0x40: {  	_ =	shalt  }
0x41: {  	_ =	shalt  }
0x42: {  	_ =	shalt  }
0x43: {  	_ =	shalt  }
0x44: {  	_ =	shalt  }
0x45: {  	_ =	shalt  }
0x46: {  	_ =	shalt  }
0x47: {  	_ =	shalt  }
0x48: {  	_ =	shalt  }
0x49: {  	_ =	shalt  }
0x4a: {  	_ =	shalt  }
0x4b: {  	_ =	shalt  }
0x4c: {  	_ =	shalt  }
0x4d: {  	_ =	shalt  }
0x4e: {  	_ =	shalt  }
0x4f: {  	_ =	shalt  }
0x50: {  	_ =	shalt  }
0x51: {  	_ =	shalt  }
0x52: {  	_ =	shalt  }
0x53: {  	_ =	shalt  }
0x54: {  	_ =	shalt  }
0x55: {  	_ =	shalt  }
0x56: {  	_ =	shalt  }
0x57: {  	_ =	shalt  }
0x58: {  	_ =	shalt  }
0x59: {  	_ =	shalt  }
0x5a: {  	_ =	shalt  }
0x5b: {  	_ =	shalt  }
0x5c: {  	_ =	shalt  }
0x5d: {  	_ =	shalt  }
0x5e: {  	_ =	shalt  }
0x5f: {  	_ =	shalt  }
0x60: {  	_ =	shalt  }
0x61: {  	_ =	shalt  }
0x62: {  	_ =	shalt  }
0x63: {  	_ =	shalt  }
0x64: {  	_ =	shalt  }
0x65: {  	_ =	shalt  }
0x66: {  	_ =	shalt  }
0x67: {  	_ =	shalt  }
0x68: {  	_ =	shalt  }
0x69: {  	_ =	shalt  }
0x6a: {  	_ =	shalt  }
0x6b: {  	_ =	shalt  }
0x6c: {  	_ =	shalt  }
0x6d: {  	_ =	shalt  }
0x6e: {  	_ =	shalt  }
0x6f: {  	_ =	shalt  }
0x70: {  	_ =	shalt  }
0x71: {  	_ =	shalt  }
0x72: {  	_ =	shalt  }
0x73: {  	_ =	shalt  }
0x74: {  	_ =	shalt  }
0x75: {  	_ =	shalt  }
0x76: {  	_ =	shalt  }
0x77: {  	_ =	shalt  }
0x78: {  	_ =	shalt  }
0x79: {  	_ =	shalt  }
0x7a: {  	_ =	shalt  }
0x7b: {  	_ =	shalt  }
0x7c: {  	_ =	shalt  }
0x7d: {  	_ =	shalt  }
0x7e: {  	_ =	shalt  }
0x7f: {  	_ =	shalt  }
0x80: {  	_ =	shalt  }
0x81: {  	_ =	shalt  }
0x82: {  	_ =	shalt  }
0x83: {  	_ =	shalt  }
0x84: {  	_ =	shalt  }
0x85: {  	_ =	shalt  }
0x86: {  	_ =	shalt  }
0x87: {  	_ =	shalt  }
.Lfunc_end0:
.L_simem_size_0:
called_computation.1_lowered:
.L_overlay_start_0:
0x88: {  	s2 =	sld [smem:$0x3FD9]  }
0x89: {  	s3 =	sld [smem:$0x3FFE];
	_ =	sdelay $0x1  }
0x8a: {  	s1 =	srdreg.scid  }
0x8b: {  	s0 =	sand.u32 $0x1, s1  }
0x8c: {  	s16 =	sshll.u32 s0, $0xA;
	s2 =	sadd.s32 s3, s2  }
0x8d: {  	s2 =	sadd.s32 s2, s16  }
0x8e: {  	[smem:$0x3FC0] =	sst s2  }
0x8f: {  	_ = 	snop  }
0x90: {  	(tm) =	ssettm $0x1  }
0x91: {  	s17 =	sld [smem:$0x3FFB];
	_ =	sdelay $0x3  }
0x92: {  	_ =	strace s17  }
0x93: {  	s2 =	sld [smem:$0x3FFC];
	_ =	sdelay $0x3  }
0x94: {  	_ =	strace s2  }
0x95: {  	s2 =	sld [smem:$0x3FFD];
	_ =	sdelay $0x3  }
0x96: {  	_ =	strace s2  }
0x97: {  	_ =	strace $0x8FFFFFFF  }
0x98: {  	s18 =	sld [smem:$0x3FDB];
	_ =	sdelay $0x1  }
0x99: {  	s19 =	simm.s32 $_scs_section_size  }
0x9a: {  	s4 =	simm.s32 $_size__tile_overlayer_lowered;
	s5 =	simm.s32 $_tile_overlayer_lowered  }
0x9b: {  	s22 =	simm.s32 $0x1BFF;
	s21 =	sshll.u32 s5, $0x1;
	s2 =	sadd.s32 s19, s18  }
0x9c: {  	s6 =	simm.s32 $0x0;
	s20 =	sshll.u32 s4, $0x1;
	s4 =	sadd.s32 s21, s2  }
0x9d: {  	[timem:s6], [sflag:s22] =	dma.local [hbm:s4], s20  }
0x9e: {  	_ =	swait.ge [sflag:s22], s20  }
0x9f: {  	s3 =	ssub.s32 $0x0, s20;
	[sflag:s22] =	ssyncset.done $0x0  }
0xa0: {  	[sflag:s22] =	ssyncadd.s32 s3;
	_ =	sdelay $0x1  }
0xa1: {  	s23 =	simm.s32 $0x1B8B  }
0xa2: {  	_ =	swait.ge [sflag:s23], $0x1  }
0xa3: {  	[sflag:s23] =	ssyncset.done $0x0  }
0xa4: {  	s25 =	simm.s32 $0x1B8E;
	s24 =	sld [smem:$0x3FFE];
	[sflag:s23] =	ssyncadd.s32 $0xFFFFFFFF  }
0xa5: {  	s26 =	simm.s32 $execute0_lowered;
	[smem:$0x3FD2] =	sst s25  }
0xa6: {  	s4 =	sshll.u32 s26, $0x1;
	_ =	strace $0x80000049;
	[dreg:$0x1] =	wrdreg $0xFFFFFFFF  }
0xa7: {  	s28 =	simm.s32 $_size_execute0_lowered;
	s2 =	sadd.s32 s2, s4;
	[dreg:$0x0] =	wrdreg $0x0  }
0xa8: {  	s4 =	sshll.u32 s28, $0x1;
	[dreg:$0x2] =	wrdreg s2  }
0xa9: {  	[dreg:$0x3] =	wrdreg s4  }
0xaa: {  	[dreg:$0x4] =	wrdreg $0xC0  }
0xab: {  	_ =	task [dreg:s6], $0x5FFFF  }
0xac: {  	[dreg:$0x1] =	wrdreg $0xFFFFFFFF  }
0xad: {  	[dreg:$0x0] =	wrdreg $0x60  }
0xae: {  	[dreg:$0x2] =	wrdreg s24  }
0xaf: {  	[dreg:$0x3] =	wrdreg $0x6C000  }
0xb0: {  	[dreg:$0x4] =	wrdreg $0x9  }
0xb1: {  	_ =	task.clear_ibuf [dreg:s6], $0x5FFFF;
	_ =	strace $0x90000049  }
0xb2: {  	s29 =	simm.s32 $0x9;
	_ =	strace $0x8000004B  }
0xb3: {  	_ =	swait.ge [sflag:s29], $0x1  }
0xb4: {  	[sflag:s29] =	ssyncadd.s32 $0xFFFFFFFF  }
0xb5: {  	_ =	strace $0x9000004B  }
0xb6: {  	_ =	sfence  }
0xb7: {  	s30 =	sld [smem:$0x0];
	_ =	sdelay $0x2  }
0xb8: {  	s31 =	sshll.u32 s1, $0xD;
	s1 =	sshrl.u32 s1, $0x2  }
0xb9: {  	s3 =	sand.u32 $0x4000, s31;
	s1 =	sadd.s32 s1, s30  }
0xba: {  	s0 =	sor.u32 s3, s0;
	s1 =	sshll.u32 s1, $0x11  }
0xbb: {  	s0 =	sor.u32 s1, s0  }
0xbc: {  	s0 =	sadd.s32 $0x8F2B, s0  }
0xbd: {  	[sflag:s0] =	ssyncadd.remote.s32 $0x1  }
0xbe: {  	_ =	sfence.sel $0xFFFF  }
0xbf: {  	[dreg:$0x0] =	wrdreg $0xFFFFFFFF;
	(pc) =	sbr.abs _section_cstart, $3  }
0xc0: {  	[dreg:$0x1] =	wrdreg $0xFFFFFFFF  }
0xc1: {  	_ =	task.clear_ibuf [dreg:s6], $0x2FFFF;
	_ =	strace $0x9FFFFFFF  }
0xc2: {  	(tm) =	ssettm $0x7FFFFFFF  }
0xc3: {  	_ =	shalt  }
tec
execute0_lowered:
.L_overlay_start_1:
0x0: {  	(tag) =	ssettag $0x1  }
0x1: {  	s0 =	rddreg [dreg:$0x0]  }
0x2: {  	s1 =	rddreg [dreg:$0x1];
	s2 =	simm.s32 $0x0  }
0x3: {  	s3 =	srdreg.scid;
	s8 =	stileid.u32;
	s21 =	simm.s32 $0x2800  }
0x4: {  	s22 =	simm.s32 $0x3000;
	s24 =	simm.s32 $0x3800;
	[smem:$0x7FF] =	sst s2  }
0x5: {  	s6 =	sand.u32 $0x1, s3;
	s3 =	sadd.s32 $0x2400, s0;
	s4 =	sadd.s32 $0x33400, s0  }
0x6: {  	s9 =	smul.u32 $0x62000, s8;
	_ =	strace $0x8000004A;
	[dreg:$0x3] =	wrdreg s21  }
0x7: {  	s5 =	sadd.s32 $0x64200, s0;
	s7 =	smul.u32 $0x31000, s6;
	[dreg:$0x4] =	wrdreg s22  }
0x8: {  	s26 =	ssub.s32 $0x2, s6;
	[dreg:$0x5] =	wrdreg s24;
	s9 =	sshrl.u32 s9, $0x2  }
0x9: {  	s10 =	sshrl.u32 s26, $0x1;
	s0 =	sadd.s32 s7, s0;
	s7 =	sadd.s32 s9, s1  }
0xa: {  	s10 =	ssub.s32 s26, s10;
	s26 =	simm.s32 $0x4000;
	[dreg:$0x7] =	wrdreg s7  }
0xb: {  	s0 =	sadd.s32 $0xF7000, s0;
	[dreg:$0x6] =	wrdreg s26  }
0xc: {  	s11 =	smax.u32 s10, $0x1;
	[dreg:$0x8] =	wrdreg s0  }
0xd: {  	s12 =	sadd.s32 $0x1C00, s7;
	[dreg:$0x9] =	wrdreg s11  }
0xe: {  	s13 =	sadd.s32 $0x3800, s7;
	[dreg:$0xa] =	wrdreg s12  }
0xf: {  	s28 =	simm.s32 $0x4800;
	s14 =	sadd.s32 $0x5400, s7;
	[dreg:$0xb] =	wrdreg s13  }
0x10: {  	s29 =	simm.s32 $0x1;
	s15 =	sadd.s32 $0x7000, s7;
	[dreg:$0xc] =	wrdreg s14  }
0x11: {  	s30 =	simm.s32 $0x2;
	s16 =	sadd.s32 $0x8C00, s7;
	[dreg:$0xd] =	wrdreg s15  }
0x12: {  	s31 =	simm.s32 $0x3;
	s17 =	sadd.s32 $0xA800, s7;
	[dreg:$0xe] =	wrdreg s16  }
0x13: {  	p0 =	sne.s32 s8, $0x0;
	s18 =	sadd.s32 $0xC400, s7;
	[dreg:$0xf] =	wrdreg s17  }
0x14: {  	s6 =	sshll.u32 s6, $0x4;
	s19 =	sadd.s32 $0xE000, s7;
	[dreg:$0x10] =	wrdreg s18  }
0x15: {  	s24 =	simm.s32 $0xB;
	s20 =	sadd.s32 $0xFC00, s7;
	[dreg:$0x11] =	wrdreg s19  }
0x16: {  	s6 =	sor.u32 s8, s6;
	s9 =	sadd.s32 $0x11800, s7;
	[dreg:$0x12] =	wrdreg s20  }
0x17: {  	s8 =	simm.s32 $0x5;
	s23 =	sadd.s32 $0x13400, s7;
	[dreg:$0x13] =	wrdreg s9  }
0x18: {  	s6 =	smul.u32 $0x187, s6;
	s25 =	sadd.s32 $0x15000, s7;
	[dreg:$0x14] =	wrdreg s23  }
0x19: {  	s7 =	sadd.s32 $0x16C00, s7;
	s26 =	simm.s32 $0x80;
	[dreg:$0x15] =	wrdreg s25  }
0x1a: {  	[dreg:$0x16] =	wrdreg s7;
	s23 =	simm.s32 $0x5000;
	s25 =	simm.s32 $0x1400  }
0x1b: {  	v0 =	vimm.f32 $0.0e+00;
	s0 =	simm.s32 $0x4;
	s12 =	simm.s32 $0x9;
	s13 =	simm.s32 $0xA  }
.LBB2_1:
0x1c: {  	s14 =	simm.s32 $0x40;
	s15 =	simm.s32 $0x0  }
.LBB2_2:
0x1d: {  	p1 =	sne.s32 s14, $0x6FC0;
	[tilespmem:s15+$0x5000] =	vst v0;
	s15 =	smov.u32 s14;
	s14 =	sadd.s32 $0x40, s14  }
.Ltmp0:
0x1e: {  	(pc) =	sbr.rel @p1 .LBB2_2-.Ltmp0, $2  }
0x1f: {  	_ =	sdelay $0x2  }
0x20: {  	s15 =	sshra.s32 s15, $0x2  }
0x21: {  	[tilespmem:s15+$0x5000] =	vst v0;
	s7 =	rddreg [dreg:$0x7]  }
0x22: {  	[spmem:s7] =	stream.linear.scatter [tilespmem:s23], [sflag:$0xB], $0x1C00, $0x38;
	[tilespmem:$0x1F400] =	vst v63  }
0x23: {  	_ =	swait.ge [sflag:s24], $0x1C00  }
0x24: {  	[sflag:s24] =	ssyncset.done $0x0  }
0x25: {  	s22 =	rddreg [dreg:$0xa];
	[sflag:s24] =	ssyncadd.s32 $0xFFFFE400  }
0x26: {  	[spmem:s22] =	stream.linear.scatter [tilespmem:s23], [sflag:$0xB], $0x1C00, $0x38;
	[tilespmem:$0x1F400] =	vst v63  }
0x27: {  	_ =	swait.ge [sflag:s24], $0x1C00  }
0x28: {  	[sflag:s24] =	ssyncset.done $0x0  }
0x29: {  	s9 =	rddreg [dreg:$0xb];
	[sflag:s24] =	ssyncadd.s32 $0xFFFFE400  }
0x2a: {  	[spmem:s9] =	stream.linear.scatter [tilespmem:s23], [sflag:$0xB], $0x1C00, $0x38;
	[tilespmem:$0x1F400] =	vst v63  }
0x2b: {  	_ =	swait.ge [sflag:s24], $0x1C00  }
0x2c: {  	[sflag:s24] =	ssyncset.done $0x0  }
0x2d: {  	s10 =	rddreg [dreg:$0xc];
	[sflag:s24] =	ssyncadd.s32 $0xFFFFE400  }
0x2e: {  	[spmem:s10] =	stream.linear.scatter [tilespmem:s23], [sflag:$0xB], $0x1C00, $0x38;
	[tilespmem:$0x1F400] =	vst v63  }
0x2f: {  	_ =	swait.ge [sflag:s24], $0x1C00  }
0x30: {  	[sflag:s24] =	ssyncset.done $0x0  }
0x31: {  	s11 =	rddreg [dreg:$0xd];
	[sflag:s24] =	ssyncadd.s32 $0xFFFFE400  }
0x32: {  	[spmem:s11] =	stream.linear.scatter [tilespmem:s23], [sflag:$0xB], $0x1C00, $0x38;
	[tilespmem:$0x1F400] =	vst v63  }
0x33: {  	_ =	swait.ge [sflag:s24], $0x1C00  }
0x34: {  	[sflag:s24] =	ssyncset.done $0x0  }
0x35: {  	s14 =	rddreg [dreg:$0xe];
	[sflag:s24] =	ssyncadd.s32 $0xFFFFE400  }
0x36: {  	[spmem:s14] =	stream.linear.scatter [tilespmem:s23], [sflag:$0xB], $0x1C00, $0x38;
	[tilespmem:$0x1F400] =	vst v63  }
0x37: {  	_ =	swait.ge [sflag:s24], $0x1C00  }
0x38: {  	[sflag:s24] =	ssyncset.done $0x0  }
0x39: {  	s15 =	rddreg [dreg:$0xf];
	[sflag:s24] =	ssyncadd.s32 $0xFFFFE400  }
0x3a: {  	[spmem:s15] =	stream.linear.scatter [tilespmem:s23], [sflag:$0xB], $0x1C00, $0x38;
	[tilespmem:$0x1F400] =	vst v63  }
0x3b: {  	_ =	swait.ge [sflag:s24], $0x1C00  }
0x3c: {  	[sflag:s24] =	ssyncset.done $0x0  }
0x3d: {  	s16 =	rddreg [dreg:$0x10];
	[sflag:s24] =	ssyncadd.s32 $0xFFFFE400  }
0x3e: {  	[spmem:s16] =	stream.linear.scatter [tilespmem:s23], [sflag:$0xB], $0x1C00, $0x38;
	[tilespmem:$0x1F400] =	vst v63  }
0x3f: {  	_ =	swait.ge [sflag:s24], $0x1C00  }
0x40: {  	[sflag:s24] =	ssyncset.done $0x0  }
0x41: {  	s17 =	rddreg [dreg:$0x11];
	[sflag:s24] =	ssyncadd.s32 $0xFFFFE400  }
0x42: {  	[spmem:s17] =	stream.linear.scatter [tilespmem:s23], [sflag:$0xB], $0x1C00, $0x38;
	[tilespmem:$0x1F400] =	vst v63  }
0x43: {  	_ =	swait.ge [sflag:s24], $0x1C00  }
0x44: {  	[sflag:s24] =	ssyncset.done $0x0  }
0x45: {  	s18 =	rddreg [dreg:$0x12];
	[sflag:s24] =	ssyncadd.s32 $0xFFFFE400  }
0x46: {  	[spmem:s18] =	stream.linear.scatter [tilespmem:s23], [sflag:$0xB], $0x1C00, $0x38;
	[tilespmem:$0x1F400] =	vst v63  }
0x47: {  	_ =	swait.ge [sflag:s24], $0x1C00  }
0x48: {  	[sflag:s24] =	ssyncset.done $0x0  }
0x49: {  	s19 =	rddreg [dreg:$0x13];
	[sflag:s24] =	ssyncadd.s32 $0xFFFFE400  }
0x4a: {  	[spmem:s19] =	stream.linear.scatter [tilespmem:s23], [sflag:$0xB], $0x1C00, $0x38;
	[tilespmem:$0x1F400] =	vst v63  }
0x4b: {  	_ =	swait.ge [sflag:s24], $0x1C00  }
0x4c: {  	[sflag:s24] =	ssyncset.done $0x0  }
0x4d: {  	s20 =	rddreg [dreg:$0x14];
	[sflag:s24] =	ssyncadd.s32 $0xFFFFE400  }
0x4e: {  	[spmem:s20] =	stream.linear.scatter [tilespmem:s23], [sflag:$0xB], $0x1C00, $0x38;
	[tilespmem:$0x1F400] =	vst v63  }
0x4f: {  	_ =	swait.ge [sflag:s24], $0x1C00  }
0x50: {  	[sflag:s24] =	ssyncset.done $0x0  }
0x51: {  	s21 =	rddreg [dreg:$0x15];
	[sflag:s24] =	ssyncadd.s32 $0xFFFFE400  }
0x52: {  	[spmem:s21] =	stream.linear.scatter [tilespmem:s23], [sflag:$0xB], $0x1C00, $0x38;
	[tilespmem:$0x1F400] =	vst v63  }
0x53: {  	_ =	swait.ge [sflag:s24], $0x1C00  }
0x54: {  	[sflag:s24] =	ssyncset.done $0x0  }
0x55: {  	s22 =	rddreg [dreg:$0x16];
	[sflag:s24] =	ssyncadd.s32 $0xFFFFE400  }
0x56: {  	[spmem:s22] =	stream.linear.scatter [tilespmem:s23], [sflag:$0xB], $0x1C00, $0x38;
	[tilespmem:$0x1F400] =	vst v63  }
0x57: {  	_ =	swait.ge [sflag:s24], $0x1C00  }
0x58: {  	[sflag:s24] =	ssyncset.done $0x0  }
0x59: {  	[sflag:s24] =	ssyncadd.s32 $0xFFFFE400  }
0x5a: {  	s14 =	simm.s32 $0x0;
	s15 =	simm.s32 $0x0;
	[bflag:$0x0] =	sbarrier.arrive $0xFFFF  }
.LBB2_4:
0x5b: {  	s16 =	smul.u32 $0x28, s15;
	_ =	sdelay $0x1  }
0x5c: {  	s16 =	sadd.s32 s6, s16  }
0x5d: {  	s16 =	sshll.u32 s16, $0x4  }
0x5e: {  	s17 =	sadd.s32 s4, s16  }
0x5f: {  	[tilespmem:s14], [sflag:$0xB] =	stream.linear.gather [hbm4b:s17+s14], $0x1400, $0x38;
	[tilespmem:$0x1F400] =	vst v63  }
0x60: {  	_ =	swait.ge [sflag:s24], $0x1400  }
0x61: {  	[sflag:s24] =	ssyncset.done $0x0  }
0x62: {  	s16 =	sadd.s32 s5, s16;
	[sflag:s24] =	ssyncadd.s32 $0xFFFFEC00  }
0x63: {  	[tilespmem:s25], [sflag:$0xB] =	stream.linear.gather [hbm4b:s16+s14], $0x1400, $0x38;
	[tilespmem:$0x1F400] =	vst v63  }
0x64: {  	s11 =	sor.u32 s15, s14;
	_ =	swait.ge [sflag:s24], $0x1400  }
0x65: {  	p1 =	sne.s32 s11, $0x0;
	[sflag:s24] =	ssyncset.done $0x0  }
0x66: {  	s16 =	simm.s32 @p1 $0x6;
	[sflag:s24] =	ssyncadd.s32 $0xFFFFEC00  }
0x67: {  	_ =	swait.ge @p1 [sflag:s16], $0x800  }
0x68: {  	s18 =	simm.s32 @p1 $0x7;
	s19 =	simm.s32 @p1 $0x80;
	[sflag:s16] =	ssyncset.done @p1 $0x0  }
0x69: {  	s17 =	simm.s32 @p1 $0x2800;
	[sflag:s16] =	ssyncadd.s32 @p1 $0xFFFFF800;
	s16 =	simm.s32 @p1 $0x0  }
0x6a: {  	[tilespmem:s17], [sflag:$0x1] =	stream.indirect.gather @p1 [hbm4b:s3+s19], $0x10, s16, s19, $0xb8;
	[tilespmem:$0x1F400] =	vst v63  }
0x6b: {  	_ =	swait.ge @p1 [sflag:s18], $0x800  }
0x6c: {  	s16 =	simm.s32 @p1 $0x80;
	[sflag:s18] =	ssyncset.done @p1 $0x0  }
0x6d: {  	s17 =	simm.s32 @p1 $0x3000;
	[sflag:s18] =	ssyncadd.s32 @p1 $0xFFFFF800;
	s18 =	simm.s32 @p1 $0x8  }
0x6e: {  	[tilespmem:s17], [sflag:$0x2] =	stream.indirect.gather @p1 [hbm4b:s3+s19], $0x10, s16, s19, $0xb8;
	[tilespmem:$0x1F400] =	vst v63  }
0x6f: {  	_ =	swait.ge @p1 [sflag:s18], $0x800  }
0x70: {  	s16 =	simm.s32 @p1 $0x100;
	[sflag:s18] =	ssyncset.done @p1 $0x0  }
0x71: {  	s17 =	simm.s32 @p1 $0x3800;
	[sflag:s18] =	ssyncadd.s32 @p1 $0xFFFFF800;
	s18 =	simm.s32 @p1 $0x9  }
0x72: {  	[tilespmem:s17], [sflag:$0x3] =	stream.indirect.gather @p1 [hbm4b:s3+s19], $0x10, s16, s19, $0xb8;
	[tilespmem:$0x1F400] =	vst v63  }
0x73: {  	_ =	swait.ge @p1 [sflag:s18], $0x800  }
0x74: {  	s16 =	simm.s32 @p1 $0x180;
	[sflag:s18] =	ssyncset.done @p1 $0x0  }
0x75: {  	s17 =	simm.s32 @p1 $0x4000;
	[sflag:s18] =	ssyncadd.s32 @p1 $0xFFFFF800;
	s18 =	simm.s32 @p1 $0xA  }
0x76: {  	[tilespmem:s17], [sflag:$0x4] =	stream.indirect.gather @p1 [hbm4b:s3+s19], $0x10, s16, s19, $0xb8;
	[tilespmem:$0x1F400] =	vst v63  }
0x77: {  	_ =	swait.ge @p1 [sflag:s18], $0x800  }
0x78: {  	s16 =	simm.s32 @!p1 $0x2800;
	[sflag:s18] =	ssyncset.done @p1 $0x0  }
0x79: {  	s17 =	simm.s32 @!p1 $0x0;
	[sflag:s18] =	ssyncadd.s32 @p1 $0xFFFFF800;
	s18 =	simm.s32 @!p1 $0x80  }
0x7a: {  	[tilespmem:s16], [sflag:$0x1] =	stream.indirect.gather @!p1 [hbm4b:s3+s18], $0x10, s17, s18, $0xb8;
	[tilespmem:$0x1F400] =	vst v63  }
0x7b: {  	s16 =	simm.s32 @!p1 $0x3000  }
0x7c: {  	[tilespmem:s16], [sflag:$0x2] =	stream.indirect.gather @!p1 [hbm4b:s3+s18], $0x10, s18, s18, $0xb8;
	[tilespmem:$0x1F400] =	vst v63  }
0x7d: {  	s17 =	simm.s32 @!p1 $0x3800;
	s16 =	simm.s32 @!p1 $0x100  }
0x7e: {  	[tilespmem:s17], [sflag:$0x3] =	stream.indirect.gather @!p1 [hbm4b:s3+s18], $0x10, s16, s18, $0xb8;
	[tilespmem:$0x1F400] =	vst v63  }
0x7f: {  	s16 =	simm.s32 @!p1 $0x180;
	s17 =	simm.s32 @!p1 $0x4000  }
0x80: {  	[tilespmem:s17], [sflag:$0x4] =	stream.indirect.gather @!p1 [hbm4b:s3+s18], $0x10, s16, s18, $0xb8;
	[tilespmem:$0x1F400] =	vst v63  }
0x81: {  	s17 =	simm.s32 $0x200  }
0x82: {  	[tilespmem:s28], [sflag:$0x5] =	stream.indirect.gather [hbm4b:s3+s26], $0x10, s17, s26, $0xb8;
	[tilespmem:$0x1F400] =	vst v63  }
0x83: {  	_ =	swait.ge [sflag:s29], $0x800  }
0x84: {  	[sflag:s29] =	ssyncset.done $0x0  }
0x85: {  	s19 =	simm.s32 $0x1400;
	s18 =	rddreg [dreg:$0x3];
	[sflag:s29] =	ssyncadd.s32 $0xFFFFF800  }
0x86: {  	[spmem:s1] =	stream.indirect.scatter.add.f32 [tilespmem:s18], [sflag:$0x6], $0x10, s19, s26, $0xb8;
	[tilespmem:$0x1F400] =	vst v63  }
0x87: {  	s16 =	simm.s32 @p1 $0x80;
	_ =	swait.ge [sflag:s30], $0x800  }
0x88: {  	s16 =	simm.s32 @!p1 $0x80;
	[sflag:s30] =	ssyncset.done $0x0  }
0x89: {  	s16 =	sadd.s32 $0x1400, s16;
	s20 =	rddreg [dreg:$0x4];
	[sflag:s30] =	ssyncadd.s32 $0xFFFFF800  }
0x8a: {  	[spmem:s1] =	stream.indirect.scatter.add.f32 [tilespmem:s20], [sflag:$0x7], $0x10, s16, s26, $0xb8;
	[tilespmem:$0x1F400] =	vst v63  }
0x8b: {  	s16 =	simm.s32 @p1 $0x100;
	_ =	swait.ge [sflag:s31], $0x800  }
0x8c: {  	s17 =	simm.s32 $0xA00;
	s16 =	simm.s32 @!p1 $0x100;
	[sflag:s31] =	ssyncset.done $0x0  }
0x8d: {  	s21 =	rddreg [dreg:$0x5];
	s16 =	sadd.s32 $0x1400, s16;
	[sflag:s31] =	ssyncadd.s32 $0xFFFFF800  }
0x8e: {  	[spmem:s1] =	stream.indirect.scatter.add.f32 [tilespmem:s21], [sflag:$0x8], $0x10, s16, s26, $0xb8;
	[tilespmem:$0x1F400] =	vst v63  }
0x8f: {  	s18 =	simm.s32 $0x1400;
	s16 =	simm.s32 $0x180;
	_ =	swait.ge [sflag:s0], $0x800  }
0x90: {  	s19 =	simm.s32 $0x1;
	s16 =	simm.s32 @!p1 $0x180;
	[sflag:s0] =	ssyncset.done $0x0  }
0x91: {  	s20 =	rddreg [dreg:$0x6];
	s16 =	sadd.s32 $0x1400, s16;
	[sflag:s0] =	ssyncadd.s32 $0xFFFFF800  }
0x92: {  	[spmem:s1] =	stream.indirect.scatter.add.f32 [tilespmem:s20], [sflag:$0x9], $0x10, s16, s26, $0xb8;
	[tilespmem:$0x1F400] =	vst v63  }
0x93: {  	s22 =	sor.u32 s15, s19;
	s21 =	simm.s32 $0x1600;
	_ =	swait.ge [sflag:s8], $0x800  }
0x94: {  	p1 =	sne.s32 s22, $0x0;
	s16 =	simm.s32 $0x400;
	[sflag:s8] =	ssyncset.done $0x0  }
.LBB2_5:
0x95: {  	s22 =	simm.s32 @p1 $0x6;
	[sflag:s8] =	ssyncadd.s32 $0xFFFFF800  }
0x96: {  	[spmem:s1] =	stream.indirect.scatter.add.f32 [tilespmem:s28], [sflag:$0xA], $0x10, s21, s26, $0xb8;
	[tilespmem:$0x1F400] =	vst v63  }
0x97: {  	_ =	swait.ge @p1 [sflag:s22], $0x800  }
0x98: {  	s7 =	simm.s32 @p1 $0x7;
	s9 =	simm.s32 @p1 $0x80;
	[sflag:s22] =	ssyncset.done @p1 $0x0  }
0x99: {  	s21 =	simm.s32 @p1 $0x2800;
	[sflag:s22] =	ssyncadd.s32 @p1 $0xFFFFF800;
	s22 =	sshra.s32 @p1 s17, $0x2  }
0x9a: {  	[tilespmem:s21], [sflag:$0x1] =	stream.indirect.gather @p1 [hbm4b:s3+s9], $0x10, s22, s9, $0xb8;
	[tilespmem:$0x1F400] =	vst v63  }
0x9b: {  	_ =	swait.ge @p1 [sflag:s7], $0x800  }
0x9c: {  	s11 =	simm.s32 @p1 $0x8;
	[sflag:s7] =	ssyncset.done @p1 $0x0  }
0x9d: {  	s21 =	sadd.s32 @p1 $0x80, s22;
	[sflag:s7] =	ssyncadd.s32 @p1 $0xFFFFF800;
	s7 =	simm.s32 @p1 $0x3000  }
0x9e: {  	[tilespmem:s7], [sflag:$0x2] =	stream.indirect.gather @p1 [hbm4b:s3+s9], $0x10, s21, s9, $0xb8;
	[tilespmem:$0x1F400] =	vst v63  }
0x9f: {  	_ =	swait.ge @p1 [sflag:s11], $0x800  }
0xa0: {  	s10 =	sadd.s32 @p1 $0x100, s22;
	[sflag:s11] =	ssyncset.done @p1 $0x0  }
0xa1: {  	s7 =	simm.s32 @p1 $0x3800;
	[sflag:s11] =	ssyncadd.s32 @p1 $0xFFFFF800;
	s11 =	simm.s32 @p1 $0x9  }
0xa2: {  	[tilespmem:s7], [sflag:$0x3] =	stream.indirect.gather @p1 [hbm4b:s3+s9], $0x10, s10, s9, $0xb8;
	[tilespmem:$0x1F400] =	vst v63  }
0xa3: {  	_ =	swait.ge @p1 [sflag:s11], $0x800  }
0xa4: {  	s22 =	sadd.s32 @p1 $0x180, s22;
	[sflag:s11] =	ssyncset.done @p1 $0x0  }
0xa5: {  	s7 =	simm.s32 @p1 $0x4000;
	s10 =	simm.s32 @p1 $0xA;
	[sflag:s11] =	ssyncadd.s32 @p1 $0xFFFFF800  }
0xa6: {  	[tilespmem:s7], [sflag:$0x4] =	stream.indirect.gather @p1 [hbm4b:s3+s9], $0x10, s22, s9, $0xb8;
	[tilespmem:$0x1F400] =	vst v63  }
0xa7: {  	_ =	swait.ge @p1 [sflag:s10], $0x800  }
0xa8: {  	s7 =	simm.s32 @!p1 $0x2800;
	[sflag:s10] =	ssyncset.done @p1 $0x0  }
0xa9: {  	s9 =	sshra.s32 @!p1 s17, $0x2;
	[sflag:s10] =	ssyncadd.s32 @p1 $0xFFFFF800;
	s10 =	simm.s32 @!p1 $0x80  }
0xaa: {  	[tilespmem:s7], [sflag:$0x1] =	stream.indirect.gather @!p1 [hbm4b:s3+s10], $0x10, s9, s10, $0xb8;
	[tilespmem:$0x1F400] =	vst v63  }
0xab: {  	s7 =	simm.s32 @!p1 $0x3000  }
0xac: {  	[tilespmem:s7], [sflag:$0x2] =	stream.indirect.gather @!p1 [hbm4b:s3+s10], $0x10, s10, s10, $0xb8;
	[tilespmem:$0x1F400] =	vst v63  }
0xad: {  	s9 =	simm.s32 @!p1 $0x3800;
	s7 =	simm.s32 @!p1 $0x100  }
0xae: {  	[tilespmem:s9], [sflag:$0x3] =	stream.indirect.gather @!p1 [hbm4b:s3+s10], $0x10, s7, s10, $0xb8;
	[tilespmem:$0x1F400] =	vst v63  }
0xaf: {  	s21 =	sshra.s32 s17, $0x2;
	s7 =	simm.s32 @!p1 $0x180;
	s9 =	simm.s32 @!p1 $0x4000  }
0xb0: {  	[tilespmem:s9], [sflag:$0x4] =	stream.indirect.gather @!p1 [hbm4b:s3+s10], $0x10, s7, s10, $0xb8;
	[tilespmem:$0x1F400] =	vst v63  }
0xb1: {  	s11 =	sadd.s32 $0x200, s21  }
0xb2: {  	[tilespmem:s28], [sflag:$0x5] =	stream.indirect.gather [hbm4b:s3+s26], $0x10, s11, s26, $0xb8;
	[tilespmem:$0x1F400] =	vst v63  }
0xb3: {  	s20 =	smov.u32 s18;
	_ =	swait.ge [sflag:s29], $0x800  }
0xb4: {  	s17 =	smov.u32 s20;
	[sflag:s29] =	ssyncset.done $0x0  }
0xb5: {  	s22 =	sadd.s32 $0x1400, s21;
	s20 =	rddreg [dreg:$0x3];
	[sflag:s29] =	ssyncadd.s32 $0xFFFFF800  }
0xb6: {  	[spmem:s1] =	stream.indirect.scatter.add.f32 [tilespmem:s20], [sflag:$0x6], $0x10, s22, s26, $0xb8;
	[tilespmem:$0x1F400] =	vst v63  }
0xb7: {  	s7 =	sadd.s32 @p1 $0xFFFFFF00, s16;
	_ =	swait.ge [sflag:s30], $0x800  }
0xb8: {  	s7 =	simm.s32 @!p1 $0x80;
	[sflag:s30] =	ssyncset.done $0x0  }
0xb9: {  	s7 =	sadd.s32 $0x1400, s7;
	s10 =	rddreg [dreg:$0x4];
	[sflag:s30] =	ssyncadd.s32 $0xFFFFF800  }
0xba: {  	[spmem:s1] =	stream.indirect.scatter.add.f32 [tilespmem:s10], [sflag:$0x7], $0x10, s7, s26, $0xb8;
	[tilespmem:$0x1F400] =	vst v63  }
0xbb: {  	s18 =	sadd.s32 $0xA00, s18;
	s7 =	sadd.s32 @p1 $0xFFFFFF80, s16;
	_ =	swait.ge [sflag:s31], $0x800  }
0xbc: {  	s19 =	sadd.s32 $0x1, s19;
	s7 =	simm.s32 @!p1 $0x100;
	[sflag:s31] =	ssyncset.done $0x0  }
0xbd: {  	s11 =	rddreg [dreg:$0x5];
	s7 =	sadd.s32 $0x1400, s7;
	[sflag:s31] =	ssyncadd.s32 $0xFFFFF800  }
0xbe: {  	[spmem:s1] =	stream.indirect.scatter.add.f32 [tilespmem:s11], [sflag:$0x8], $0x10, s7, s26, $0xb8;
	[tilespmem:$0x1F400] =	vst v63  }
0xbf: {  	p2 =	sne.s32 s18, $0x5000;
	s9 =	smov.u32 s16;
	_ =	swait.ge [sflag:s0], $0x800  }
.Ltmp1:
0xc0: {  	s9 =	simm.s32 @!p1 $0x180;
	[sflag:s0] =	ssyncset.done $0x0;
	(pc) =	sbr.rel @p2 .LBB2_5-.Ltmp1, $4  }
0xc1: {  	s9 =	sadd.s32 $0x1400, s9;
	s20 =	rddreg [dreg:$0x6];
	[sflag:s0] =	ssyncadd.s32 $0xFFFFF800  }
0xc2: {  	[spmem:s1] =	stream.indirect.scatter.add.f32 [tilespmem:s20], [sflag:$0x9], $0x10, s9, s26, $0xb8;
	[tilespmem:$0x1F400] =	vst v63  }
0xc3: {  	s21 =	sadd.s32 $0x1600, s21;
	s22 =	sor.u32 s15, s19;
	_ =	swait.ge [sflag:s8], $0x800  }
0xc4: {  	s16 =	sadd.s32 $0x280, s16;
	p1 =	sne.s32 s22, $0x0;
	[sflag:s8] =	ssyncset.done $0x0  }
0xc5: {  	s7 =	simm.s32 @p1 $0x6;
	[sflag:s8] =	ssyncadd.s32 $0xFFFFF800  }
0xc6: {  	[spmem:s1] =	stream.indirect.scatter.add.f32 [tilespmem:s28], [sflag:$0xA], $0x10, s21, s26, $0xb8;
	[tilespmem:$0x1F400] =	vst v63  }
0xc7: {  	_ =	swait.ge @p1 [sflag:s7], $0x800  }
0xc8: {  	s9 =	simm.s32 @p1 $0x2800;
	s10 =	simm.s32 @p1 $0x7;
	[sflag:s7] =	ssyncset.done @p1 $0x0  }
0xc9: {  	s11 =	simm.s32 @p1 $0x80;
	[sflag:s7] =	ssyncadd.s32 @p1 $0xFFFFF800;
	s7 =	sshra.s32 @p1 s17, $0x2  }
0xca: {  	[tilespmem:s9], [sflag:$0x1] =	stream.indirect.gather @p1 [hbm4b:s3+s11], $0x10, s7, s11, $0xb8;
	[tilespmem:$0x1F400] =	vst v63  }
0xcb: {  	_ =	swait.ge @p1 [sflag:s10], $0x800  }
0xcc: {  	s18 =	simm.s32 @p1 $0x8;
	[sflag:s10] =	ssyncset.done @p1 $0x0  }
0xcd: {  	s9 =	sadd.s32 @p1 $0x80, s7;
	[sflag:s10] =	ssyncadd.s32 @p1 $0xFFFFF800;
	s10 =	simm.s32 @p1 $0x3000  }
0xce: {  	[tilespmem:s10], [sflag:$0x2] =	stream.indirect.gather @p1 [hbm4b:s3+s11], $0x10, s9, s11, $0xb8;
	[tilespmem:$0x1F400] =	vst v63  }
0xcf: {  	_ =	swait.ge @p1 [sflag:s18], $0x800  }
0xd0: {  	s9 =	sadd.s32 @p1 $0x100, s7;
	[sflag:s18] =	ssyncset.done @p1 $0x0  }
0xd1: {  	s10 =	simm.s32 @p1 $0x3800;
	[sflag:s18] =	ssyncadd.s32 @p1 $0xFFFFF800;
	s18 =	simm.s32 @p1 $0x9  }
0xd2: {  	[tilespmem:s10], [sflag:$0x3] =	stream.indirect.gather @p1 [hbm4b:s3+s11], $0x10, s9, s11, $0xb8;
	[tilespmem:$0x1F400] =	vst v63  }
0xd3: {  	_ =	swait.ge @p1 [sflag:s18], $0x800  }
0xd4: {  	s7 =	sadd.s32 @p1 $0x180, s7;
	[sflag:s18] =	ssyncset.done @p1 $0x0  }
0xd5: {  	s9 =	simm.s32 @p1 $0x4000;
	s10 =	simm.s32 @p1 $0xA;
	[sflag:s18] =	ssyncadd.s32 @p1 $0xFFFFF800  }
0xd6: {  	[tilespmem:s9], [sflag:$0x4] =	stream.indirect.gather @p1 [hbm4b:s3+s11], $0x10, s7, s11, $0xb8;
	[tilespmem:$0x1F400] =	vst v63  }
0xd7: {  	_ =	swait.ge @p1 [sflag:s10], $0x800  }
0xd8: {  	s7 =	simm.s32 @!p1 $0x2800;
	[sflag:s10] =	ssyncset.done @p1 $0x0  }
0xd9: {  	s9 =	sshra.s32 @!p1 s17, $0x2;
	[sflag:s10] =	ssyncadd.s32 @p1 $0xFFFFF800;
	s10 =	simm.s32 @!p1 $0x80  }
0xda: {  	[tilespmem:s7], [sflag:$0x1] =	stream.indirect.gather @!p1 [hbm4b:s3+s10], $0x10, s9, s10, $0xb8;
	[tilespmem:$0x1F400] =	vst v63  }
0xdb: {  	s7 =	simm.s32 @!p1 $0x3000  }
0xdc: {  	[tilespmem:s7], [sflag:$0x2] =	stream.indirect.gather @!p1 [hbm4b:s3+s10], $0x10, s10, s10, $0xb8;
	[tilespmem:$0x1F400] =	vst v63  }
0xdd: {  	s9 =	simm.s32 @!p1 $0x3800;
	s7 =	simm.s32 @!p1 $0x100  }
0xde: {  	[tilespmem:s9], [sflag:$0x3] =	stream.indirect.gather @!p1 [hbm4b:s3+s10], $0x10, s7, s10, $0xb8;
	[tilespmem:$0x1F400] =	vst v63  }
0xdf: {  	s22 =	sshra.s32 s17, $0x2;
	s7 =	simm.s32 @!p1 $0x180;
	s9 =	simm.s32 @!p1 $0x4000  }
0xe0: {  	[tilespmem:s9], [sflag:$0x4] =	stream.indirect.gather @!p1 [hbm4b:s3+s10], $0x10, s7, s10, $0xb8;
	[tilespmem:$0x1F400] =	vst v63  }
0xe1: {  	s9 =	sadd.s32 $0x200, s22  }
0xe2: {  	[tilespmem:s28], [sflag:$0x5] =	stream.indirect.gather [hbm4b:s3+s26], $0x10, s9, s26, $0xb8;
	[tilespmem:$0x1F400] =	vst v63  }
0xe3: {  	_ =	swait.ge [sflag:s29], $0x800  }
0xe4: {  	[sflag:s29] =	ssyncset.done $0x0  }
0xe5: {  	s17 =	sadd.s32 $0x1400, s22;
	s10 =	rddreg [dreg:$0x3];
	[sflag:s29] =	ssyncadd.s32 $0xFFFFF800  }
0xe6: {  	[spmem:s1] =	stream.indirect.scatter.add.f32 [tilespmem:s10], [sflag:$0x6], $0x10, s17, s26, $0xb8;
	[tilespmem:$0x1F400] =	vst v63  }
0xe7: {  	s7 =	sadd.s32 @p1 $0xFFFFFF00, s16;
	_ =	swait.ge [sflag:s30], $0x800  }
0xe8: {  	s7 =	simm.s32 @!p1 $0x80;
	[sflag:s30] =	ssyncset.done $0x0  }
0xe9: {  	s7 =	sadd.s32 $0x1400, s7;
	s18 =	rddreg [dreg:$0x4];
	[sflag:s30] =	ssyncadd.s32 $0xFFFFF800  }
0xea: {  	[spmem:s1] =	stream.indirect.scatter.add.f32 [tilespmem:s18], [sflag:$0x7], $0x10, s7, s26, $0xb8;
	[tilespmem:$0x1F400] =	vst v63  }
0xeb: {  	s7 =	sadd.s32 @p1 $0xFFFFFF80, s16;
	_ =	swait.ge [sflag:s31], $0x800  }
0xec: {  	s7 =	simm.s32 @!p1 $0x100;
	[sflag:s31] =	ssyncset.done $0x0  }
0xed: {  	s19 =	rddreg [dreg:$0x5];
	s7 =	sadd.s32 $0x1400, s7;
	[sflag:s31] =	ssyncadd.s32 $0xFFFFF800  }
0xee: {  	[spmem:s1] =	stream.indirect.scatter.add.f32 [tilespmem:s19], [sflag:$0x8], $0x10, s7, s26, $0xb8;
	[tilespmem:$0x1F400] =	vst v63  }
0xef: {  	s16 =	simm.s32 @!p1 $0x180;
	_ =	swait.ge [sflag:s0], $0x800  }
0xf0: {  	s15 =	sadd.s32 $0x1, s15;
	s21 =	sadd.s32 $0x1400, s16;
	[sflag:s0] =	ssyncset.done $0x0  }
0xf1: {  	p1 =	sne.s32 s15, $0x9;
	s20 =	rddreg [dreg:$0x6];
	[sflag:s0] =	ssyncadd.s32 $0xFFFFF800  }
0xf2: {  	[spmem:s1] =	stream.indirect.scatter.add.f32 [tilespmem:s20], [sflag:$0x9], $0x10, s21, s26, $0xb8;
	[tilespmem:$0x1F400] =	vst v63  }
.Ltmp2:
0xf3: {  	_ = 	snop;
	(pc) =	sbr.rel @p1 .LBB2_4-.Ltmp2, $4  }
0xf4: {  	_ =	swait.ge [sflag:s8], $0x800  }
0xf5: {  	[sflag:s8] =	ssyncset.done $0x0  }
0xf6: {  	s22 =	sadd.s32 $0x1600, s22;
	[sflag:s8] =	ssyncadd.s32 $0xFFFFF800  }
0xf7: {  	[spmem:s1] =	stream.indirect.scatter.add.f32 [tilespmem:s28], [sflag:$0xA], $0x10, s22, s26, $0xb8;
	[tilespmem:$0x1F400] =	vst v63  }
0xf8: {  	s7 =	simm.s32 $0x6  }
0xf9: {  	_ =	swait.ge [sflag:s7], $0x800  }
0xfa: {  	[sflag:s7] =	ssyncset.done $0x0  }
0xfb: {  	s20 =	simm.s32 $0x7;
	[sflag:s7] =	ssyncadd.s32 $0xFFFFF800  }
0xfc: {  	_ =	swait.ge [sflag:s20], $0x800  }
0xfd: {  	[sflag:s20] =	ssyncset.done $0x0  }
0xfe: {  	s21 =	simm.s32 $0x8;
	[sflag:s20] =	ssyncadd.s32 $0xFFFFF800  }
0xff: {  	_ =	swait.ge [sflag:s21], $0x800  }
0x100: {  	[sflag:s21] =	ssyncset.done $0x0  }
0x101: {  	[sflag:s21] =	ssyncadd.s32 $0xFFFFF800  }
0x102: {  	_ =	swait.ge [sflag:s12], $0x800  }
0x103: {  	[sflag:s12] =	ssyncset.done $0x0  }
0x104: {  	[sflag:s12] =	ssyncadd.s32 $0xFFFFF800  }
0x105: {  	_ =	swait.ge [sflag:s13], $0x800  }
0x106: {  	[sflag:s13] =	ssyncset.done $0x0  }
0x107: {  	[sflag:s13] =	ssyncadd.s32 $0xFFFFF800  }
0x108: {  	[bflag:$0x0] =	sbarrier.arrive $0xFFFF  }
0x109: {  	s9 =	simm.s32 @!p0 $0x1C0B;
	s7 =	sshrl.u32 @!p0 s1, $0x3;
	s10 =	rddreg [dreg:$0x8]  }
0x10a: {  	[hbm:s10], [sflag:s9] =	dma.local @!p0 [spmem:s7], $0x31000  }
0x10b: {  	s7 =	simm.s32 @!p0 $0xB  }
0x10c: {  	_ =	swait.ge @!p0 [sflag:s7], $0x31000  }
0x10d: {  	s2 =	sadd.s32 $0x1, s2;
	s22 =	rddreg [dreg:$0x9]  }
0x10e: {  	p1 =	sne.s32 s2, s22  }
.Ltmp3:
0x10f: {  	_ = 	snop;
	(pc) =	sbr.rel @p1 .LBB2_1-.Ltmp3, $3  }
0x110: {  	_ =	sdelay $0x1  }
0x111: {  	[sflag:s7] =	ssyncset.done @!p0 $0x0  }
0x112: {  	[sflag:s7] =	ssyncadd.s32 @!p0 $0xFFFCF000  }
0x113: {  	_ =	sfence.sel $0x180000  }
0x114: {  	[bflag:$0x0] =	sbarrier.arrive $0xFFFF  }
0x115: {  	_ =	strace $0x9000004A  }
0x116: {  	[bflag:$0x2] =	sbarrier.arrive $0xFFFF  }
0x117: {  	s0 =	rddreg [dreg:$0x2]  }
0x118: {  	s0 =	sadd.s32 @!p0 $0x100000, s0  }
0x119: {  	[sflag:s0] =	ssyncadd.tile.s32 @!p0 $0x1;
	_ =	shalt  }
.Lfunc_end2:
_tile_overlayer_lowered:
.L_overlay_start_2:
0x11a: {  	(tag) =	ssettag $0x2  }
0x11b: {  	s0 =	rddreg [dreg:$0x0];
	s2 =	stileid.u32  }
0x11c: {  	s1 =	rddreg [dreg:$0x1];
	p0 =	sne.s32 s2, $0x0  }
0x11d: {  	s3 =	rddreg [dreg:$0x2];
	[bflag:$0x3] =	sbarrier.arrive $0xFFFF;
	s2 =	simm.s32 @!p0 $0x1C0B  }
0x11e: {  	[timem:s3], [sflag:s2] =	dma.local @!p0 [hbm:s0], s1  }
0x11f: {  	s0 =	simm.s32 @!p0 $0xB  }
0x120: {  	_ =	swait.ge @!p0 [sflag:s0], s1  }
0x121: {  	s1 =	ssub.s32 @!p0 $0x0, s1;
	[sflag:s0] =	ssyncset.done @!p0 $0x0  }
0x122: {  	[sflag:s0] =	ssyncadd.s32 @!p0 s1  }
0x123: {  	[bflag:$0x3] =	sbarrier.arrive $0xFFFF  }
0x124: {  	_ =	shalt  }

// kernel: kernel.7.cloned.1.call-start
scs
__scs_entry_jumppad:
0x0: {  	(pc) =	sbr.rel $0x88, $3  }
0x1: {  	(tag) =	ssettag $0x0;
	lr =	simm.s32 $0x1  }
0x2: {  	[smem:$0x3F99] =	sst lr;
	_ =	strace $0xD0000000  }
0x3: {  	_ = 	snop  }
0x4: {  	_ = 	snop  }
0x5: {  	_ = 	snop  }
0x6: {  	_ = 	snop  }
0x7: {  	_ = 	snop  }
__scs_overlays_trampoline_lowered:
0x8: {  	[smem:$0x3FA8] =	sst s0  }
0x9: {  	[smem:$0x3FA9] =	sst s1  }
0xa: {  	[smem:$0x3FAA] =	sst s2  }
0xb: {  	[smem:$0x3FAB] =	sst s3  }
0xc: {  	[smem:$0x3FAC] =	sst s4  }
0xd: {  	[smem:$0x3FAD] =	sst s5  }
0xe: {  	[smem:$0x3FAE] =	sst s6  }
0xf: {  	[smem:$0x3FAF] =	sst s7  }
0x10: {  	[smem:$0x3FB0] =	sst s8  }
0x11: {  	[smem:$0x3FB1] =	sst s9;
	s0 =	simm.s32 @!p0 $0x0  }
0x12: {  	s1 =	sld [smem:$0x3F97];
	s0 =	simm.s32 @p0 $0x1  }
0x13: {  	[smem:$0x3FB2] =	sst s0;
	s0 =	simm.s32 @!p1 $0x0  }
0x14: {  	s2 =	sld [smem:$0x3F96];
	s0 =	simm.s32 @p1 $0x1  }
0x15: {  	[smem:$0x3FB3] =	sst s0;
	s0 =	simm.s32 @!p2 $0x0  }
0x16: {  	s3 =	sld [smem:$0x3FDB];
	s0 =	simm.s32 @p2 $0x1  }
0x17: {  	s4 =	simm.s32 $0x1BF5;
	[smem:$0x3FB5] =	sst s0  }
0x18: {  	s0 =	sld [smem:$0x3F98];
	_ =	swait.ge [sflag:s4], $0x0  }
0x19: {  	s7 =	sld [smem:$0x3F99]  }
0x1a: {  	s8 =	sadd.s32 $0xFFFFE003, lr  }
0x1b: {  	s9 =	sadd.s32 $0xFFFFFEF7, lr;
	s5 =	simm.s32 $0xFFFFFFFF;
	p2 =	slt.u32 s8, $0xFFFFF086  }
0x1c: {  	p1 =	slt.u32 s9, $0xF7A;
	s5 =	simm.s32 @!p2 $0x0  }
0x1d: {  	s5 =	simm.s32 @p1 $0x1;
	p0 =	seq.s32 s7, s2  }
0x1e: {  	s7 =	smul.u32 @!p0 $0xF7A, s2;
	p2 =	seq.s32 @!p0 s5, $0x0  }
0x1f: {  	s9 =	smul.u32 $0xF7A, s1;
	s8 =	simm.s32 @!p0 $0x1BF5;
	p2 =	por !p2, p0  }
0x20: {  	[sflag:s8] =	ssyncset.s32 @!p0 $0xFFFFF086;
	s6 =	sadd.s32 @!p0 s3, s7;
	s7 =	simm.s32 @!p0 $0x108  }
0x21: {  	s3 =	sadd.s32 s3, s9;
	s6 =	sadd.s32 @!p0 $0x88, s6;
	s7 =	simm.s32 @p2 $0x1082  }
0x22: {  	[simem:s7], [sflag:s8] =	dma.local @!p0 [hbm:s6], $0xF7A  }
0x23: {  	s9 =	sor.u32 $0xD0000000, s2;
	s6 =	simm.s32 $0x108;
	_ =	swait.ge @!p0 [sflag:s8], $0x0  }
0x24: {  	s3 =	sadd.s32 $0x88, s3;
	s6 =	simm.s32 @!p1 $0x1082;
	[sflag:s4] =	ssyncset.s32 $0xFFFFF086  }
0x25: {  	[simem:s6], [sflag:s4] =	dma.local [hbm:s3], $0xF7A  }
0x26: {  	[smem:$0x3F99] =	sst s1;
	(tag) =	ssettag s2;
	_ =	strace s9  }
0x27: {  	s1 =	sld [smem:$0x3FA9]  }
0x28: {  	s2 =	sld [smem:$0x3FAA]  }
0x29: {  	s4 =	sld [smem:$0x3FAC]  }
0x2a: {  	p0 =	seq.s32 s5, $0x0;
	s5 =	sld [smem:$0x3FAD]  }
0x2b: {  	s6 =	sld [smem:$0x3FAE]  }
0x2c: {  	s7 =	sld [smem:$0x3FAF]  }
0x2d: {  	s3 =	simm.s32 $0x108;
	s8 =	sld [smem:$0x3FB0]  }
0x2e: {  	s3 =	simm.s32 @!p0 $0x1082;
	s9 =	sld [smem:$0x3FB1]  }
0x2f: {  	lr =	sadd.s32 s0, s3;
	s0 =	sld [smem:$0x3FA8]  }
0x30: {  	s3 =	sld [smem:$0x3FAB]  }
0x31: {  	[smem:$0x3FB4] =	sst s10  }
0x32: {  	s10 =	sld [smem:$0x3FB2];
	_ =	sdelay $0x3  }
0x33: {  	p0 =	seq.s32 s10, $0x1;
	s10 =	sld [smem:$0x3FB4];
	_ =	sdelay $0x3  }
0x34: {  	[smem:$0x3FB4] =	sst s10  }
0x35: {  	s10 =	sld [smem:$0x3FB3];
	_ =	sdelay $0x3  }
0x36: {  	p1 =	seq.s32 s10, $0x1;
	s10 =	sld [smem:$0x3FB4];
	_ =	sdelay $0x3  }
0x37: {  	[smem:$0x3FB4] =	sst s10  }
0x38: {  	s10 =	sld [smem:$0x3FB5]  }
0x39: {  	_ = 	snop;
	(pc) =	sbr.ind lr, $3  }
0x3a: {  	_ = 	snop  }
0x3b: {  	_ = 	snop  }
0x3c: {  	p2 =	seq.s32 s10, $0x1;
	s10 =	sld [smem:$0x3FB4]  }
0x3d: {  	_ =	shalt  }
0x3e: {  	_ =	shalt  }
0x3f: {  	_ =	shalt  }
0x40: {  	_ =	shalt  }
0x41: {  	_ =	shalt  }
0x42: {  	_ =	shalt  }
0x43: {  	_ =	shalt  }
0x44: {  	_ =	shalt  }
0x45: {  	_ =	shalt  }
0x46: {  	_ =	shalt  }
0x47: {  	_ =	shalt  }
0x48: {  	_ =	shalt  }
0x49: {  	_ =	shalt  }
0x4a: {  	_ =	shalt  }
0x4b: {  	_ =	shalt  }
0x4c: {  	_ =	shalt  }
0x4d: {  	_ =	shalt  }
0x4e: {  	_ =	shalt  }
0x4f: {  	_ =	shalt  }
0x50: {  	_ =	shalt  }
0x51: {  	_ =	shalt  }
0x52: {  	_ =	shalt  }
0x53: {  	_ =	shalt  }
0x54: {  	_ =	shalt  }
0x55: {  	_ =	shalt  }
0x56: {  	_ =	shalt  }
0x57: {  	_ =	shalt  }
0x58: {  	_ =	shalt  }
0x59: {  	_ =	shalt  }
0x5a: {  	_ =	shalt  }
0x5b: {  	_ =	shalt  }
0x5c: {  	_ =	shalt  }
0x5d: {  	_ =	shalt  }
0x5e: {  	_ =	shalt  }
0x5f: {  	_ =	shalt  }
0x60: {  	_ =	shalt  }
0x61: {  	_ =	shalt  }
0x62: {  	_ =	shalt  }
0x63: {  	_ =	shalt  }
0x64: {  	_ =	shalt  }
0x65: {  	_ =	shalt  }
0x66: {  	_ =	shalt  }
0x67: {  	_ =	shalt  }
0x68: {  	_ =	shalt  }
0x69: {  	_ =	shalt  }
0x6a: {  	_ =	shalt  }
0x6b: {  	_ =	shalt  }
0x6c: {  	_ =	shalt  }
0x6d: {  	_ =	shalt  }
0x6e: {  	_ =	shalt  }
0x6f: {  	_ =	shalt  }
0x70: {  	_ =	shalt  }
0x71: {  	_ =	shalt  }
0x72: {  	_ =	shalt  }
0x73: {  	_ =	shalt  }
0x74: {  	_ =	shalt  }
0x75: {  	_ =	shalt  }
0x76: {  	_ =	shalt  }
0x77: {  	_ =	shalt  }
0x78: {  	_ =	shalt  }
0x79: {  	_ =	shalt  }
0x7a: {  	_ =	shalt  }
0x7b: {  	_ =	shalt  }
0x7c: {  	_ =	shalt  }
0x7d: {  	_ =	shalt  }
0x7e: {  	_ =	shalt  }
0x7f: {  	_ =	shalt  }
0x80: {  	_ =	shalt  }
0x81: {  	_ =	shalt  }
0x82: {  	_ =	shalt  }
0x83: {  	_ =	shalt  }
0x84: {  	_ =	shalt  }
0x85: {  	_ =	shalt  }
0x86: {  	_ =	shalt  }
0x87: {  	_ =	shalt  }
.Lfunc_end0:
.L_simem_size_0:
called_computation_lowered:
.L_overlay_start_0:
0x88: {  	s2 =	sld [smem:$0x3FD9]  }
0x89: {  	s3 =	sld [smem:$0x3FFE];
	_ =	sdelay $0x1  }
0x8a: {  	s1 =	srdreg.scid  }
0x8b: {  	s0 =	sand.u32 $0x1, s1  }
0x8c: {  	s16 =	sshll.u32 s0, $0xA;
	s2 =	sadd.s32 s3, s2  }
0x8d: {  	s2 =	sadd.s32 s2, s16  }
0x8e: {  	[smem:$0x3FC0] =	sst s2  }
0x8f: {  	_ = 	snop  }
0x90: {  	(tm) =	ssettm $0x1  }
0x91: {  	s17 =	sld [smem:$0x3FFB];
	_ =	sdelay $0x3  }
0x92: {  	_ =	strace s17  }
0x93: {  	s2 =	sld [smem:$0x3FFC];
	_ =	sdelay $0x3  }
0x94: {  	_ =	strace s2  }
0x95: {  	s2 =	sld [smem:$0x3FFD];
	_ =	sdelay $0x3  }
0x96: {  	_ =	strace s2  }
0x97: {  	_ =	strace $0x8FFFFFFF  }
0x98: {  	s18 =	sld [smem:$0x3FDB];
	_ =	sdelay $0x1  }
0x99: {  	s19 =	simm.s32 $_scs_section_size  }
0x9a: {  	s4 =	simm.s32 $_size__tile_overlayer_lowered;
	s5 =	simm.s32 $_tile_overlayer_lowered  }
0x9b: {  	s22 =	simm.s32 $0x1BFF;
	s21 =	sshll.u32 s5, $0x1;
	s2 =	sadd.s32 s19, s18  }
0x9c: {  	s6 =	simm.s32 $0x0;
	s20 =	sshll.u32 s4, $0x1;
	s4 =	sadd.s32 s21, s2  }
0x9d: {  	[timem:s6], [sflag:s22] =	dma.local [hbm:s4], s20  }
0x9e: {  	_ =	swait.ge [sflag:s22], s20  }
0x9f: {  	s3 =	ssub.s32 $0x0, s20;
	[sflag:s22] =	ssyncset.done $0x0  }
0xa0: {  	[sflag:s22] =	ssyncadd.s32 s3;
	_ =	sdelay $0x1  }
0xa1: {  	s23 =	simm.s32 $0x1B8B  }
0xa2: {  	_ =	swait.ge [sflag:s23], $0x1  }
0xa3: {  	[sflag:s23] =	ssyncset.done $0x0  }
0xa4: {  	s25 =	simm.s32 $0x1B8E;
	s24 =	sld [smem:$0x3FFE];
	[sflag:s23] =	ssyncadd.s32 $0xFFFFFFFF  }
0xa5: {  	s26 =	simm.s32 $execute0_lowered;
	[smem:$0x3FD2] =	sst s25  }
0xa6: {  	s4 =	sshll.u32 s26, $0x1;
	_ =	strace $0x80000046;
	[dreg:$0x1] =	wrdreg $0xFFFFFFFF  }
0xa7: {  	s28 =	simm.s32 $_size_execute0_lowered;
	s2 =	sadd.s32 s2, s4;
	[dreg:$0x0] =	wrdreg $0x0  }
0xa8: {  	s4 =	sshll.u32 s28, $0x1;
	[dreg:$0x2] =	wrdreg s2  }
0xa9: {  	[dreg:$0x3] =	wrdreg s4  }
0xaa: {  	[dreg:$0x4] =	wrdreg $0xC0  }
0xab: {  	_ =	task [dreg:s6], $0x5FFFF  }
0xac: {  	[dreg:$0x1] =	wrdreg $0xFFFFFFFF  }
0xad: {  	[dreg:$0x0] =	wrdreg $0x60  }
0xae: {  	[dreg:$0x2] =	wrdreg s24  }
0xaf: {  	[dreg:$0x3] =	wrdreg $0x6C000  }
0xb0: {  	[dreg:$0x4] =	wrdreg $0x9  }
0xb1: {  	_ =	task.clear_ibuf [dreg:s6], $0x5FFFF;
	_ =	strace $0x90000046  }
0xb2: {  	s29 =	simm.s32 $0x9;
	_ =	strace $0x80000048  }
0xb3: {  	_ =	swait.ge [sflag:s29], $0x1  }
0xb4: {  	[sflag:s29] =	ssyncadd.s32 $0xFFFFFFFF  }
0xb5: {  	_ =	strace $0x90000048  }
0xb6: {  	_ =	sfence  }
0xb7: {  	s30 =	sld [smem:$0x0];
	_ =	sdelay $0x2  }
0xb8: {  	s31 =	sshll.u32 s1, $0xD;
	s1 =	sshrl.u32 s1, $0x2  }
0xb9: {  	s3 =	sand.u32 $0x4000, s31;
	s1 =	sadd.s32 s1, s30  }
0xba: {  	s0 =	sor.u32 s3, s0;
	s1 =	sshll.u32 s1, $0x11  }
0xbb: {  	s0 =	sor.u32 s1, s0  }
0xbc: {  	s0 =	sadd.s32 $0x8F2B, s0  }
0xbd: {  	[sflag:s0] =	ssyncadd.remote.s32 $0x1  }
0xbe: {  	_ =	sfence.sel $0xFFFF  }
0xbf: {  	[dreg:$0x0] =	wrdreg $0xFFFFFFFF;
	(pc) =	sbr.abs _section_cstart, $3  }
0xc0: {  	[dreg:$0x1] =	wrdreg $0xFFFFFFFF  }
0xc1: {  	_ =	task.clear_ibuf [dreg:s6], $0x2FFFF;
	_ =	strace $0x9FFFFFFF  }
0xc2: {  	(tm) =	ssettm $0x7FFFFFFF  }
0xc3: {  	_ =	shalt  }
tec
execute0_lowered:
.L_overlay_start_1:
0x0: {  	(tag) =	ssettag $0x1  }
0x1: {  	s0 =	rddreg [dreg:$0x0]  }
0x2: {  	s1 =	rddreg [dreg:$0x1];
	s2 =	simm.s32 $0x0  }
0x3: {  	s3 =	srdreg.scid;
	s8 =	stileid.u32;
	s21 =	simm.s32 $0x2800  }
0x4: {  	s22 =	simm.s32 $0x3000;
	s24 =	simm.s32 $0x3800;
	[smem:$0x7FF] =	sst s2  }
0x5: {  	s6 =	sand.u32 $0x1, s3;
	s3 =	sadd.s32 $0x2400, s0;
	s4 =	sadd.s32 $0x64200, s0  }
0x6: {  	s9 =	smul.u32 $0x62000, s8;
	_ =	strace $0x80000047;
	[dreg:$0x3] =	wrdreg s21  }
0x7: {  	s5 =	sadd.s32 $0x33400, s0;
	s7 =	smul.u32 $0x31000, s6;
	[dreg:$0x4] =	wrdreg s22  }
0x8: {  	s26 =	ssub.s32 $0x2, s6;
	[dreg:$0x5] =	wrdreg s24;
	s9 =	sshrl.u32 s9, $0x2  }
0x9: {  	s10 =	sshrl.u32 s26, $0x1;
	s0 =	sadd.s32 s7, s0;
	s7 =	sadd.s32 s9, s1  }
0xa: {  	s10 =	ssub.s32 s26, s10;
	s26 =	simm.s32 $0x4000;
	[dreg:$0x7] =	wrdreg s7  }
0xb: {  	s0 =	sadd.s32 $0x95000, s0;
	[dreg:$0x6] =	wrdreg s26  }
0xc: {  	s11 =	smax.u32 s10, $0x1;
	[dreg:$0x8] =	wrdreg s0  }
0xd: {  	s12 =	sadd.s32 $0x1C00, s7;
	[dreg:$0x9] =	wrdreg s11  }
0xe: {  	s13 =	sadd.s32 $0x3800, s7;
	[dreg:$0xa] =	wrdreg s12  }
0xf: {  	s28 =	simm.s32 $0x4800;
	s14 =	sadd.s32 $0x5400, s7;
	[dreg:$0xb] =	wrdreg s13  }
0x10: {  	s29 =	simm.s32 $0x1;
	s15 =	sadd.s32 $0x7000, s7;
	[dreg:$0xc] =	wrdreg s14  }
0x11: {  	s30 =	simm.s32 $0x2;
	s16 =	sadd.s32 $0x8C00, s7;
	[dreg:$0xd] =	wrdreg s15  }
0x12: {  	s31 =	simm.s32 $0x3;
	s17 =	sadd.s32 $0xA800, s7;
	[dreg:$0xe] =	wrdreg s16  }
0x13: {  	p0 =	sne.s32 s8, $0x0;
	s18 =	sadd.s32 $0xC400, s7;
	[dreg:$0xf] =	wrdreg s17  }
0x14: {  	s6 =	sshll.u32 s6, $0x4;
	s19 =	sadd.s32 $0xE000, s7;
	[dreg:$0x10] =	wrdreg s18  }
0x15: {  	s24 =	simm.s32 $0xB;
	s20 =	sadd.s32 $0xFC00, s7;
	[dreg:$0x11] =	wrdreg s19  }
0x16: {  	s6 =	sor.u32 s8, s6;
	s9 =	sadd.s32 $0x11800, s7;
	[dreg:$0x12] =	wrdreg s20  }
0x17: {  	s8 =	simm.s32 $0x5;
	s23 =	sadd.s32 $0x13400, s7;
	[dreg:$0x13] =	wrdreg s9  }
0x18: {  	s6 =	smul.u32 $0x187, s6;
	s25 =	sadd.s32 $0x15000, s7;
	[dreg:$0x14] =	wrdreg s23  }
0x19: {  	s7 =	sadd.s32 $0x16C00, s7;
	s26 =	simm.s32 $0x80;
	[dreg:$0x15] =	wrdreg s25  }
0x1a: {  	[dreg:$0x16] =	wrdreg s7;
	s23 =	simm.s32 $0x5000;
	s25 =	simm.s32 $0x1400  }
0x1b: {  	v0 =	vimm.f32 $0.0e+00;
	s0 =	simm.s32 $0x4;
	s12 =	simm.s32 $0x9;
	s13 =	simm.s32 $0xA  }
.LBB2_1:
0x1c: {  	s14 =	simm.s32 $0x40;
	s15 =	simm.s32 $0x0  }
.LBB2_2:
0x1d: {  	p1 =	sne.s32 s14, $0x6FC0;
	[tilespmem:s15+$0x5000] =	vst v0;
	s15 =	smov.u32 s14;
	s14 =	sadd.s32 $0x40, s14  }
.Ltmp0:
0x1e: {  	(pc) =	sbr.rel @p1 .LBB2_2-.Ltmp0, $2  }
0x1f: {  	_ =	sdelay $0x2  }
0x20: {  	s15 =	sshra.s32 s15, $0x2  }
0x21: {  	[tilespmem:s15+$0x5000] =	vst v0;
	s7 =	rddreg [dreg:$0x7]  }
0x22: {  	[spmem:s7] =	stream.linear.scatter [tilespmem:s23], [sflag:$0xB], $0x1C00, $0x38;
	[tilespmem:$0x1F400] =	vst v63  }
0x23: {  	_ =	swait.ge [sflag:s24], $0x1C00  }
0x24: {  	[sflag:s24] =	ssyncset.done $0x0  }
0x25: {  	s22 =	rddreg [dreg:$0xa];
	[sflag:s24] =	ssyncadd.s32 $0xFFFFE400  }
0x26: {  	[spmem:s22] =	stream.linear.scatter [tilespmem:s23], [sflag:$0xB], $0x1C00, $0x38;
	[tilespmem:$0x1F400] =	vst v63  }
0x27: {  	_ =	swait.ge [sflag:s24], $0x1C00  }
0x28: {  	[sflag:s24] =	ssyncset.done $0x0  }
0x29: {  	s9 =	rddreg [dreg:$0xb];
	[sflag:s24] =	ssyncadd.s32 $0xFFFFE400  }
0x2a: {  	[spmem:s9] =	stream.linear.scatter [tilespmem:s23], [sflag:$0xB], $0x1C00, $0x38;
	[tilespmem:$0x1F400] =	vst v63  }
0x2b: {  	_ =	swait.ge [sflag:s24], $0x1C00  }
0x2c: {  	[sflag:s24] =	ssyncset.done $0x0  }
0x2d: {  	s10 =	rddreg [dreg:$0xc];
	[sflag:s24] =	ssyncadd.s32 $0xFFFFE400  }
0x2e: {  	[spmem:s10] =	stream.linear.scatter [tilespmem:s23], [sflag:$0xB], $0x1C00, $0x38;
	[tilespmem:$0x1F400] =	vst v63  }
0x2f: {  	_ =	swait.ge [sflag:s24], $0x1C00  }
0x30: {  	[sflag:s24] =	ssyncset.done $0x0  }
0x31: {  	s11 =	rddreg [dreg:$0xd];
	[sflag:s24] =	ssyncadd.s32 $0xFFFFE400  }
0x32: {  	[spmem:s11] =	stream.linear.scatter [tilespmem:s23], [sflag:$0xB], $0x1C00, $0x38;
	[tilespmem:$0x1F400] =	vst v63  }
0x33: {  	_ =	swait.ge [sflag:s24], $0x1C00  }
0x34: {  	[sflag:s24] =	ssyncset.done $0x0  }
0x35: {  	s14 =	rddreg [dreg:$0xe];
	[sflag:s24] =	ssyncadd.s32 $0xFFFFE400  }
0x36: {  	[spmem:s14] =	stream.linear.scatter [tilespmem:s23], [sflag:$0xB], $0x1C00, $0x38;
	[tilespmem:$0x1F400] =	vst v63  }
0x37: {  	_ =	swait.ge [sflag:s24], $0x1C00  }
0x38: {  	[sflag:s24] =	ssyncset.done $0x0  }
0x39: {  	s15 =	rddreg [dreg:$0xf];
	[sflag:s24] =	ssyncadd.s32 $0xFFFFE400  }
0x3a: {  	[spmem:s15] =	stream.linear.scatter [tilespmem:s23], [sflag:$0xB], $0x1C00, $0x38;
	[tilespmem:$0x1F400] =	vst v63  }
0x3b: {  	_ =	swait.ge [sflag:s24], $0x1C00  }
0x3c: {  	[sflag:s24] =	ssyncset.done $0x0  }
0x3d: {  	s16 =	rddreg [dreg:$0x10];
	[sflag:s24] =	ssyncadd.s32 $0xFFFFE400  }
0x3e: {  	[spmem:s16] =	stream.linear.scatter [tilespmem:s23], [sflag:$0xB], $0x1C00, $0x38;
	[tilespmem:$0x1F400] =	vst v63  }
0x3f: {  	_ =	swait.ge [sflag:s24], $0x1C00  }
0x40: {  	[sflag:s24] =	ssyncset.done $0x0  }
0x41: {  	s17 =	rddreg [dreg:$0x11];
	[sflag:s24] =	ssyncadd.s32 $0xFFFFE400  }
0x42: {  	[spmem:s17] =	stream.linear.scatter [tilespmem:s23], [sflag:$0xB], $0x1C00, $0x38;
	[tilespmem:$0x1F400] =	vst v63  }
0x43: {  	_ =	swait.ge [sflag:s24], $0x1C00  }
0x44: {  	[sflag:s24] =	ssyncset.done $0x0  }
0x45: {  	s18 =	rddreg [dreg:$0x12];
	[sflag:s24] =	ssyncadd.s32 $0xFFFFE400  }
0x46: {  	[spmem:s18] =	stream.linear.scatter [tilespmem:s23], [sflag:$0xB], $0x1C00, $0x38;
	[tilespmem:$0x1F400] =	vst v63  }
0x47: {  	_ =	swait.ge [sflag:s24], $0x1C00  }
0x48: {  	[sflag:s24] =	ssyncset.done $0x0  }
0x49: {  	s19 =	rddreg [dreg:$0x13];
	[sflag:s24] =	ssyncadd.s32 $0xFFFFE400  }
0x4a: {  	[spmem:s19] =	stream.linear.scatter [tilespmem:s23], [sflag:$0xB], $0x1C00, $0x38;
	[tilespmem:$0x1F400] =	vst v63  }
0x4b: {  	_ =	swait.ge [sflag:s24], $0x1C00  }
0x4c: {  	[sflag:s24] =	ssyncset.done $0x0  }
0x4d: {  	s20 =	rddreg [dreg:$0x14];
	[sflag:s24] =	ssyncadd.s32 $0xFFFFE400  }
0x4e: {  	[spmem:s20] =	stream.linear.scatter [tilespmem:s23], [sflag:$0xB], $0x1C00, $0x38;
	[tilespmem:$0x1F400] =	vst v63  }
0x4f: {  	_ =	swait.ge [sflag:s24], $0x1C00  }
0x50: {  	[sflag:s24] =	ssyncset.done $0x0  }
0x51: {  	s21 =	rddreg [dreg:$0x15];
	[sflag:s24] =	ssyncadd.s32 $0xFFFFE400  }
0x52: {  	[spmem:s21] =	stream.linear.scatter [tilespmem:s23], [sflag:$0xB], $0x1C00, $0x38;
	[tilespmem:$0x1F400] =	vst v63  }
0x53: {  	_ =	swait.ge [sflag:s24], $0x1C00  }
0x54: {  	[sflag:s24] =	ssyncset.done $0x0  }
0x55: {  	s22 =	rddreg [dreg:$0x16];
	[sflag:s24] =	ssyncadd.s32 $0xFFFFE400  }
0x56: {  	[spmem:s22] =	stream.linear.scatter [tilespmem:s23], [sflag:$0xB], $0x1C00, $0x38;
	[tilespmem:$0x1F400] =	vst v63  }
0x57: {  	_ =	swait.ge [sflag:s24], $0x1C00  }
0x58: {  	[sflag:s24] =	ssyncset.done $0x0  }
0x59: {  	[sflag:s24] =	ssyncadd.s32 $0xFFFFE400  }
0x5a: {  	s14 =	simm.s32 $0x0;
	s15 =	simm.s32 $0x0;
	[bflag:$0x0] =	sbarrier.arrive $0xFFFF  }
.LBB2_4:
0x5b: {  	s16 =	smul.u32 $0x28, s15;
	_ =	sdelay $0x1  }
0x5c: {  	s16 =	sadd.s32 s6, s16  }
0x5d: {  	s16 =	sshll.u32 s16, $0x4  }
0x5e: {  	s17 =	sadd.s32 s4, s16  }
0x5f: {  	[tilespmem:s14], [sflag:$0xB] =	stream.linear.gather [hbm4b:s17+s14], $0x1400, $0x38;
	[tilespmem:$0x1F400] =	vst v63  }
0x60: {  	_ =	swait.ge [sflag:s24], $0x1400  }
0x61: {  	[sflag:s24] =	ssyncset.done $0x0  }
0x62: {  	s16 =	sadd.s32 s5, s16;
	[sflag:s24] =	ssyncadd.s32 $0xFFFFEC00  }
0x63: {  	[tilespmem:s25], [sflag:$0xB] =	stream.linear.gather [hbm4b:s16+s14], $0x1400, $0x38;
	[tilespmem:$0x1F400] =	vst v63  }
0x64: {  	s11 =	sor.u32 s15, s14;
	_ =	swait.ge [sflag:s24], $0x1400  }
0x65: {  	p1 =	sne.s32 s11, $0x0;
	[sflag:s24] =	ssyncset.done $0x0  }
0x66: {  	s16 =	simm.s32 @p1 $0x6;
	[sflag:s24] =	ssyncadd.s32 $0xFFFFEC00  }
0x67: {  	_ =	swait.ge @p1 [sflag:s16], $0x800  }
0x68: {  	s18 =	simm.s32 @p1 $0x7;
	s19 =	simm.s32 @p1 $0x80;
	[sflag:s16] =	ssyncset.done @p1 $0x0  }
0x69: {  	s17 =	simm.s32 @p1 $0x2800;
	[sflag:s16] =	ssyncadd.s32 @p1 $0xFFFFF800;
	s16 =	simm.s32 @p1 $0x0  }
0x6a: {  	[tilespmem:s17], [sflag:$0x1] =	stream.indirect.gather @p1 [hbm4b:s3+s19], $0x10, s16, s19, $0xb8;
	[tilespmem:$0x1F400] =	vst v63  }
0x6b: {  	_ =	swait.ge @p1 [sflag:s18], $0x800  }
0x6c: {  	s16 =	simm.s32 @p1 $0x80;
	[sflag:s18] =	ssyncset.done @p1 $0x0  }
0x6d: {  	s17 =	simm.s32 @p1 $0x3000;
	[sflag:s18] =	ssyncadd.s32 @p1 $0xFFFFF800;
	s18 =	simm.s32 @p1 $0x8  }
0x6e: {  	[tilespmem:s17], [sflag:$0x2] =	stream.indirect.gather @p1 [hbm4b:s3+s19], $0x10, s16, s19, $0xb8;
	[tilespmem:$0x1F400] =	vst v63  }
0x6f: {  	_ =	swait.ge @p1 [sflag:s18], $0x800  }
0x70: {  	s16 =	simm.s32 @p1 $0x100;
	[sflag:s18] =	ssyncset.done @p1 $0x0  }
0x71: {  	s17 =	simm.s32 @p1 $0x3800;
	[sflag:s18] =	ssyncadd.s32 @p1 $0xFFFFF800;
	s18 =	simm.s32 @p1 $0x9  }
0x72: {  	[tilespmem:s17], [sflag:$0x3] =	stream.indirect.gather @p1 [hbm4b:s3+s19], $0x10, s16, s19, $0xb8;
	[tilespmem:$0x1F400] =	vst v63  }
0x73: {  	_ =	swait.ge @p1 [sflag:s18], $0x800  }
0x74: {  	s16 =	simm.s32 @p1 $0x180;
	[sflag:s18] =	ssyncset.done @p1 $0x0  }
0x75: {  	s17 =	simm.s32 @p1 $0x4000;
	[sflag:s18] =	ssyncadd.s32 @p1 $0xFFFFF800;
	s18 =	simm.s32 @p1 $0xA  }
0x76: {  	[tilespmem:s17], [sflag:$0x4] =	stream.indirect.gather @p1 [hbm4b:s3+s19], $0x10, s16, s19, $0xb8;
	[tilespmem:$0x1F400] =	vst v63  }
0x77: {  	_ =	swait.ge @p1 [sflag:s18], $0x800  }
0x78: {  	s16 =	simm.s32 @!p1 $0x2800;
	[sflag:s18] =	ssyncset.done @p1 $0x0  }
0x79: {  	s17 =	simm.s32 @!p1 $0x0;
	[sflag:s18] =	ssyncadd.s32 @p1 $0xFFFFF800;
	s18 =	simm.s32 @!p1 $0x80  }
0x7a: {  	[tilespmem:s16], [sflag:$0x1] =	stream.indirect.gather @!p1 [hbm4b:s3+s18], $0x10, s17, s18, $0xb8;
	[tilespmem:$0x1F400] =	vst v63  }
0x7b: {  	s16 =	simm.s32 @!p1 $0x3000  }
0x7c: {  	[tilespmem:s16], [sflag:$0x2] =	stream.indirect.gather @!p1 [hbm4b:s3+s18], $0x10, s18, s18, $0xb8;
	[tilespmem:$0x1F400] =	vst v63  }
0x7d: {  	s17 =	simm.s32 @!p1 $0x3800;
	s16 =	simm.s32 @!p1 $0x100  }
0x7e: {  	[tilespmem:s17], [sflag:$0x3] =	stream.indirect.gather @!p1 [hbm4b:s3+s18], $0x10, s16, s18, $0xb8;
	[tilespmem:$0x1F400] =	vst v63  }
0x7f: {  	s16 =	simm.s32 @!p1 $0x180;
	s17 =	simm.s32 @!p1 $0x4000  }
0x80: {  	[tilespmem:s17], [sflag:$0x4] =	stream.indirect.gather @!p1 [hbm4b:s3+s18], $0x10, s16, s18, $0xb8;
	[tilespmem:$0x1F400] =	vst v63  }
0x81: {  	s17 =	simm.s32 $0x200  }
0x82: {  	[tilespmem:s28], [sflag:$0x5] =	stream.indirect.gather [hbm4b:s3+s26], $0x10, s17, s26, $0xb8;
	[tilespmem:$0x1F400] =	vst v63  }
0x83: {  	_ =	swait.ge [sflag:s29], $0x800  }
0x84: {  	[sflag:s29] =	ssyncset.done $0x0  }
0x85: {  	s19 =	simm.s32 $0x1400;
	s18 =	rddreg [dreg:$0x3];
	[sflag:s29] =	ssyncadd.s32 $0xFFFFF800  }
0x86: {  	[spmem:s1] =	stream.indirect.scatter.add.f32 [tilespmem:s18], [sflag:$0x6], $0x10, s19, s26, $0xb8;
	[tilespmem:$0x1F400] =	vst v63  }
0x87: {  	s16 =	simm.s32 @p1 $0x80;
	_ =	swait.ge [sflag:s30], $0x800  }
0x88: {  	s16 =	simm.s32 @!p1 $0x80;
	[sflag:s30] =	ssyncset.done $0x0  }
0x89: {  	s16 =	sadd.s32 $0x1400, s16;
	s20 =	rddreg [dreg:$0x4];
	[sflag:s30] =	ssyncadd.s32 $0xFFFFF800  }
0x8a: {  	[spmem:s1] =	stream.indirect.scatter.add.f32 [tilespmem:s20], [sflag:$0x7], $0x10, s16, s26, $0xb8;
	[tilespmem:$0x1F400] =	vst v63  }
0x8b: {  	s16 =	simm.s32 @p1 $0x100;
	_ =	swait.ge [sflag:s31], $0x800  }
0x8c: {  	s17 =	simm.s32 $0xA00;
	s16 =	simm.s32 @!p1 $0x100;
	[sflag:s31] =	ssyncset.done $0x0  }
0x8d: {  	s21 =	rddreg [dreg:$0x5];
	s16 =	sadd.s32 $0x1400, s16;
	[sflag:s31] =	ssyncadd.s32 $0xFFFFF800  }
0x8e: {  	[spmem:s1] =	stream.indirect.scatter.add.f32 [tilespmem:s21], [sflag:$0x8], $0x10, s16, s26, $0xb8;
	[tilespmem:$0x1F400] =	vst v63  }
0x8f: {  	s18 =	simm.s32 $0x1400;
	s16 =	simm.s32 $0x180;
	_ =	swait.ge [sflag:s0], $0x800  }
0x90: {  	s19 =	simm.s32 $0x1;
	s16 =	simm.s32 @!p1 $0x180;
	[sflag:s0] =	ssyncset.done $0x0  }
0x91: {  	s20 =	rddreg [dreg:$0x6];
	s16 =	sadd.s32 $0x1400, s16;
	[sflag:s0] =	ssyncadd.s32 $0xFFFFF800  }
0x92: {  	[spmem:s1] =	stream.indirect.scatter.add.f32 [tilespmem:s20], [sflag:$0x9], $0x10, s16, s26, $0xb8;
	[tilespmem:$0x1F400] =	vst v63  }
0x93: {  	s22 =	sor.u32 s15, s19;
	s21 =	simm.s32 $0x1600;
	_ =	swait.ge [sflag:s8], $0x800  }
0x94: {  	p1 =	sne.s32 s22, $0x0;
	s16 =	simm.s32 $0x400;
	[sflag:s8] =	ssyncset.done $0x0  }
.LBB2_5:
0x95: {  	s22 =	simm.s32 @p1 $0x6;
	[sflag:s8] =	ssyncadd.s32 $0xFFFFF800  }
0x96: {  	[spmem:s1] =	stream.indirect.scatter.add.f32 [tilespmem:s28], [sflag:$0xA], $0x10, s21, s26, $0xb8;
	[tilespmem:$0x1F400] =	vst v63  }
0x97: {  	_ =	swait.ge @p1 [sflag:s22], $0x800  }
0x98: {  	s7 =	simm.s32 @p1 $0x7;
	s9 =	simm.s32 @p1 $0x80;
	[sflag:s22] =	ssyncset.done @p1 $0x0  }
0x99: {  	s21 =	simm.s32 @p1 $0x2800;
	[sflag:s22] =	ssyncadd.s32 @p1 $0xFFFFF800;
	s22 =	sshra.s32 @p1 s17, $0x2  }
0x9a: {  	[tilespmem:s21], [sflag:$0x1] =	stream.indirect.gather @p1 [hbm4b:s3+s9], $0x10, s22, s9, $0xb8;
	[tilespmem:$0x1F400] =	vst v63  }
0x9b: {  	_ =	swait.ge @p1 [sflag:s7], $0x800  }
0x9c: {  	s11 =	simm.s32 @p1 $0x8;
	[sflag:s7] =	ssyncset.done @p1 $0x0  }
0x9d: {  	s21 =	sadd.s32 @p1 $0x80, s22;
	[sflag:s7] =	ssyncadd.s32 @p1 $0xFFFFF800;
	s7 =	simm.s32 @p1 $0x3000  }
0x9e: {  	[tilespmem:s7], [sflag:$0x2] =	stream.indirect.gather @p1 [hbm4b:s3+s9], $0x10, s21, s9, $0xb8;
	[tilespmem:$0x1F400] =	vst v63  }
0x9f: {  	_ =	swait.ge @p1 [sflag:s11], $0x800  }
0xa0: {  	s10 =	sadd.s32 @p1 $0x100, s22;
	[sflag:s11] =	ssyncset.done @p1 $0x0  }
0xa1: {  	s7 =	simm.s32 @p1 $0x3800;
	[sflag:s11] =	ssyncadd.s32 @p1 $0xFFFFF800;
	s11 =	simm.s32 @p1 $0x9  }
0xa2: {  	[tilespmem:s7], [sflag:$0x3] =	stream.indirect.gather @p1 [hbm4b:s3+s9], $0x10, s10, s9, $0xb8;
	[tilespmem:$0x1F400] =	vst v63  }
0xa3: {  	_ =	swait.ge @p1 [sflag:s11], $0x800  }
0xa4: {  	s22 =	sadd.s32 @p1 $0x180, s22;
	[sflag:s11] =	ssyncset.done @p1 $0x0  }
0xa5: {  	s7 =	simm.s32 @p1 $0x4000;
	s10 =	simm.s32 @p1 $0xA;
	[sflag:s11] =	ssyncadd.s32 @p1 $0xFFFFF800  }
0xa6: {  	[tilespmem:s7], [sflag:$0x4] =	stream.indirect.gather @p1 [hbm4b:s3+s9], $0x10, s22, s9, $0xb8;
	[tilespmem:$0x1F400] =	vst v63  }
0xa7: {  	_ =	swait.ge @p1 [sflag:s10], $0x800  }
0xa8: {  	s7 =	simm.s32 @!p1 $0x2800;
	[sflag:s10] =	ssyncset.done @p1 $0x0  }
0xa9: {  	s9 =	sshra.s32 @!p1 s17, $0x2;
	[sflag:s10] =	ssyncadd.s32 @p1 $0xFFFFF800;
	s10 =	simm.s32 @!p1 $0x80  }
0xaa: {  	[tilespmem:s7], [sflag:$0x1] =	stream.indirect.gather @!p1 [hbm4b:s3+s10], $0x10, s9, s10, $0xb8;
	[tilespmem:$0x1F400] =	vst v63  }
0xab: {  	s7 =	simm.s32 @!p1 $0x3000  }
0xac: {  	[tilespmem:s7], [sflag:$0x2] =	stream.indirect.gather @!p1 [hbm4b:s3+s10], $0x10, s10, s10, $0xb8;
	[tilespmem:$0x1F400] =	vst v63  }
0xad: {  	s9 =	simm.s32 @!p1 $0x3800;
	s7 =	simm.s32 @!p1 $0x100  }
0xae: {  	[tilespmem:s9], [sflag:$0x3] =	stream.indirect.gather @!p1 [hbm4b:s3+s10], $0x10, s7, s10, $0xb8;
	[tilespmem:$0x1F400] =	vst v63  }
0xaf: {  	s21 =	sshra.s32 s17, $0x2;
	s7 =	simm.s32 @!p1 $0x180;
	s9 =	simm.s32 @!p1 $0x4000  }
0xb0: {  	[tilespmem:s9], [sflag:$0x4] =	stream.indirect.gather @!p1 [hbm4b:s3+s10], $0x10, s7, s10, $0xb8;
	[tilespmem:$0x1F400] =	vst v63  }
0xb1: {  	s11 =	sadd.s32 $0x200, s21  }
0xb2: {  	[tilespmem:s28], [sflag:$0x5] =	stream.indirect.gather [hbm4b:s3+s26], $0x10, s11, s26, $0xb8;
	[tilespmem:$0x1F400] =	vst v63  }
0xb3: {  	s20 =	smov.u32 s18;
	_ =	swait.ge [sflag:s29], $0x800  }
0xb4: {  	s17 =	smov.u32 s20;
	[sflag:s29] =	ssyncset.done $0x0  }
0xb5: {  	s22 =	sadd.s32 $0x1400, s21;
	s20 =	rddreg [dreg:$0x3];
	[sflag:s29] =	ssyncadd.s32 $0xFFFFF800  }
0xb6: {  	[spmem:s1] =	stream.indirect.scatter.add.f32 [tilespmem:s20], [sflag:$0x6], $0x10, s22, s26, $0xb8;
	[tilespmem:$0x1F400] =	vst v63  }
0xb7: {  	s7 =	sadd.s32 @p1 $0xFFFFFF00, s16;
	_ =	swait.ge [sflag:s30], $0x800  }
0xb8: {  	s7 =	simm.s32 @!p1 $0x80;
	[sflag:s30] =	ssyncset.done $0x0  }
0xb9: {  	s7 =	sadd.s32 $0x1400, s7;
	s10 =	rddreg [dreg:$0x4];
	[sflag:s30] =	ssyncadd.s32 $0xFFFFF800  }
0xba: {  	[spmem:s1] =	stream.indirect.scatter.add.f32 [tilespmem:s10], [sflag:$0x7], $0x10, s7, s26, $0xb8;
	[tilespmem:$0x1F400] =	vst v63  }
0xbb: {  	s18 =	sadd.s32 $0xA00, s18;
	s7 =	sadd.s32 @p1 $0xFFFFFF80, s16;
	_ =	swait.ge [sflag:s31], $0x800  }
0xbc: {  	s19 =	sadd.s32 $0x1, s19;
	s7 =	simm.s32 @!p1 $0x100;
	[sflag:s31] =	ssyncset.done $0x0  }
0xbd: {  	s11 =	rddreg [dreg:$0x5];
	s7 =	sadd.s32 $0x1400, s7;
	[sflag:s31] =	ssyncadd.s32 $0xFFFFF800  }
0xbe: {  	[spmem:s1] =	stream.indirect.scatter.add.f32 [tilespmem:s11], [sflag:$0x8], $0x10, s7, s26, $0xb8;
	[tilespmem:$0x1F400] =	vst v63  }
0xbf: {  	p2 =	sne.s32 s18, $0x5000;
	s9 =	smov.u32 s16;
	_ =	swait.ge [sflag:s0], $0x800  }
.Ltmp1:
0xc0: {  	s9 =	simm.s32 @!p1 $0x180;
	[sflag:s0] =	ssyncset.done $0x0;
	(pc) =	sbr.rel @p2 .LBB2_5-.Ltmp1, $4  }
0xc1: {  	s9 =	sadd.s32 $0x1400, s9;
	s20 =	rddreg [dreg:$0x6];
	[sflag:s0] =	ssyncadd.s32 $0xFFFFF800  }
0xc2: {  	[spmem:s1] =	stream.indirect.scatter.add.f32 [tilespmem:s20], [sflag:$0x9], $0x10, s9, s26, $0xb8;
	[tilespmem:$0x1F400] =	vst v63  }
0xc3: {  	s21 =	sadd.s32 $0x1600, s21;
	s22 =	sor.u32 s15, s19;
	_ =	swait.ge [sflag:s8], $0x800  }
0xc4: {  	s16 =	sadd.s32 $0x280, s16;
	p1 =	sne.s32 s22, $0x0;
	[sflag:s8] =	ssyncset.done $0x0  }
0xc5: {  	s7 =	simm.s32 @p1 $0x6;
	[sflag:s8] =	ssyncadd.s32 $0xFFFFF800  }
0xc6: {  	[spmem:s1] =	stream.indirect.scatter.add.f32 [tilespmem:s28], [sflag:$0xA], $0x10, s21, s26, $0xb8;
	[tilespmem:$0x1F400] =	vst v63  }
0xc7: {  	_ =	swait.ge @p1 [sflag:s7], $0x800  }
0xc8: {  	s9 =	simm.s32 @p1 $0x2800;
	s10 =	simm.s32 @p1 $0x7;
	[sflag:s7] =	ssyncset.done @p1 $0x0  }
0xc9: {  	s11 =	simm.s32 @p1 $0x80;
	[sflag:s7] =	ssyncadd.s32 @p1 $0xFFFFF800;
	s7 =	sshra.s32 @p1 s17, $0x2  }
0xca: {  	[tilespmem:s9], [sflag:$0x1] =	stream.indirect.gather @p1 [hbm4b:s3+s11], $0x10, s7, s11, $0xb8;
	[tilespmem:$0x1F400] =	vst v63  }
0xcb: {  	_ =	swait.ge @p1 [sflag:s10], $0x800  }
0xcc: {  	s18 =	simm.s32 @p1 $0x8;
	[sflag:s10] =	ssyncset.done @p1 $0x0  }
0xcd: {  	s9 =	sadd.s32 @p1 $0x80, s7;
	[sflag:s10] =	ssyncadd.s32 @p1 $0xFFFFF800;
	s10 =	simm.s32 @p1 $0x3000  }
0xce: {  	[tilespmem:s10], [sflag:$0x2] =	stream.indirect.gather @p1 [hbm4b:s3+s11], $0x10, s9, s11, $0xb8;
	[tilespmem:$0x1F400] =	vst v63  }
0xcf: {  	_ =	swait.ge @p1 [sflag:s18], $0x800  }
0xd0: {  	s9 =	sadd.s32 @p1 $0x100, s7;
	[sflag:s18] =	ssyncset.done @p1 $0x0  }
0xd1: {  	s10 =	simm.s32 @p1 $0x3800;
	[sflag:s18] =	ssyncadd.s32 @p1 $0xFFFFF800;
	s18 =	simm.s32 @p1 $0x9  }
0xd2: {  	[tilespmem:s10], [sflag:$0x3] =	stream.indirect.gather @p1 [hbm4b:s3+s11], $0x10, s9, s11, $0xb8;
	[tilespmem:$0x1F400] =	vst v63  }
0xd3: {  	_ =	swait.ge @p1 [sflag:s18], $0x800  }
0xd4: {  	s7 =	sadd.s32 @p1 $0x180, s7;
	[sflag:s18] =	ssyncset.done @p1 $0x0  }
0xd5: {  	s9 =	simm.s32 @p1 $0x4000;
	s10 =	simm.s32 @p1 $0xA;
	[sflag:s18] =	ssyncadd.s32 @p1 $0xFFFFF800  }
0xd6: {  	[tilespmem:s9], [sflag:$0x4] =	stream.indirect.gather @p1 [hbm4b:s3+s11], $0x10, s7, s11, $0xb8;
	[tilespmem:$0x1F400] =	vst v63  }
0xd7: {  	_ =	swait.ge @p1 [sflag:s10], $0x800  }
0xd8: {  	s7 =	simm.s32 @!p1 $0x2800;
	[sflag:s10] =	ssyncset.done @p1 $0x0  }
0xd9: {  	s9 =	sshra.s32 @!p1 s17, $0x2;
	[sflag:s10] =	ssyncadd.s32 @p1 $0xFFFFF800;
	s10 =	simm.s32 @!p1 $0x80  }
0xda: {  	[tilespmem:s7], [sflag:$0x1] =	stream.indirect.gather @!p1 [hbm4b:s3+s10], $0x10, s9, s10, $0xb8;
	[tilespmem:$0x1F400] =	vst v63  }
0xdb: {  	s7 =	simm.s32 @!p1 $0x3000  }
0xdc: {  	[tilespmem:s7], [sflag:$0x2] =	stream.indirect.gather @!p1 [hbm4b:s3+s10], $0x10, s10, s10, $0xb8;
	[tilespmem:$0x1F400] =	vst v63  }
0xdd: {  	s9 =	simm.s32 @!p1 $0x3800;
	s7 =	simm.s32 @!p1 $0x100  }
0xde: {  	[tilespmem:s9], [sflag:$0x3] =	stream.indirect.gather @!p1 [hbm4b:s3+s10], $0x10, s7, s10, $0xb8;
	[tilespmem:$0x1F400] =	vst v63  }
0xdf: {  	s22 =	sshra.s32 s17, $0x2;
	s7 =	simm.s32 @!p1 $0x180;
	s9 =	simm.s32 @!p1 $0x4000  }
0xe0: {  	[tilespmem:s9], [sflag:$0x4] =	stream.indirect.gather @!p1 [hbm4b:s3+s10], $0x10, s7, s10, $0xb8;
	[tilespmem:$0x1F400] =	vst v63  }
0xe1: {  	s9 =	sadd.s32 $0x200, s22  }
0xe2: {  	[tilespmem:s28], [sflag:$0x5] =	stream.indirect.gather [hbm4b:s3+s26], $0x10, s9, s26, $0xb8;
	[tilespmem:$0x1F400] =	vst v63  }
0xe3: {  	_ =	swait.ge [sflag:s29], $0x800  }
0xe4: {  	[sflag:s29] =	ssyncset.done $0x0  }
0xe5: {  	s17 =	sadd.s32 $0x1400, s22;
	s10 =	rddreg [dreg:$0x3];
	[sflag:s29] =	ssyncadd.s32 $0xFFFFF800  }
0xe6: {  	[spmem:s1] =	stream.indirect.scatter.add.f32 [tilespmem:s10], [sflag:$0x6], $0x10, s17, s26, $0xb8;
	[tilespmem:$0x1F400] =	vst v63  }
0xe7: {  	s7 =	sadd.s32 @p1 $0xFFFFFF00, s16;
	_ =	swait.ge [sflag:s30], $0x800  }
0xe8: {  	s7 =	simm.s32 @!p1 $0x80;
	[sflag:s30] =	ssyncset.done $0x0  }
0xe9: {  	s7 =	sadd.s32 $0x1400, s7;
	s18 =	rddreg [dreg:$0x4];
	[sflag:s30] =	ssyncadd.s32 $0xFFFFF800  }
0xea: {  	[spmem:s1] =	stream.indirect.scatter.add.f32 [tilespmem:s18], [sflag:$0x7], $0x10, s7, s26, $0xb8;
	[tilespmem:$0x1F400] =	vst v63  }
0xeb: {  	s7 =	sadd.s32 @p1 $0xFFFFFF80, s16;
	_ =	swait.ge [sflag:s31], $0x800  }
0xec: {  	s7 =	simm.s32 @!p1 $0x100;
	[sflag:s31] =	ssyncset.done $0x0  }
0xed: {  	s19 =	rddreg [dreg:$0x5];
	s7 =	sadd.s32 $0x1400, s7;
	[sflag:s31] =	ssyncadd.s32 $0xFFFFF800  }
0xee: {  	[spmem:s1] =	stream.indirect.scatter.add.f32 [tilespmem:s19], [sflag:$0x8], $0x10, s7, s26, $0xb8;
	[tilespmem:$0x1F400] =	vst v63  }
0xef: {  	s16 =	simm.s32 @!p1 $0x180;
	_ =	swait.ge [sflag:s0], $0x800  }
0xf0: {  	s15 =	sadd.s32 $0x1, s15;
	s21 =	sadd.s32 $0x1400, s16;
	[sflag:s0] =	ssyncset.done $0x0  }
0xf1: {  	p1 =	sne.s32 s15, $0x9;
	s20 =	rddreg [dreg:$0x6];
	[sflag:s0] =	ssyncadd.s32 $0xFFFFF800  }
0xf2: {  	[spmem:s1] =	stream.indirect.scatter.add.f32 [tilespmem:s20], [sflag:$0x9], $0x10, s21, s26, $0xb8;
	[tilespmem:$0x1F400] =	vst v63  }
.Ltmp2:
0xf3: {  	_ = 	snop;
	(pc) =	sbr.rel @p1 .LBB2_4-.Ltmp2, $4  }
0xf4: {  	_ =	swait.ge [sflag:s8], $0x800  }
0xf5: {  	[sflag:s8] =	ssyncset.done $0x0  }
0xf6: {  	s22 =	sadd.s32 $0x1600, s22;
	[sflag:s8] =	ssyncadd.s32 $0xFFFFF800  }
0xf7: {  	[spmem:s1] =	stream.indirect.scatter.add.f32 [tilespmem:s28], [sflag:$0xA], $0x10, s22, s26, $0xb8;
	[tilespmem:$0x1F400] =	vst v63  }
0xf8: {  	s7 =	simm.s32 $0x6  }
0xf9: {  	_ =	swait.ge [sflag:s7], $0x800  }
0xfa: {  	[sflag:s7] =	ssyncset.done $0x0  }
0xfb: {  	s20 =	simm.s32 $0x7;
	[sflag:s7] =	ssyncadd.s32 $0xFFFFF800  }
0xfc: {  	_ =	swait.ge [sflag:s20], $0x800  }
0xfd: {  	[sflag:s20] =	ssyncset.done $0x0  }
0xfe: {  	s21 =	simm.s32 $0x8;
	[sflag:s20] =	ssyncadd.s32 $0xFFFFF800  }
0xff: {  	_ =	swait.ge [sflag:s21], $0x800  }
0x100: {  	[sflag:s21] =	ssyncset.done $0x0  }
0x101: {  	[sflag:s21] =	ssyncadd.s32 $0xFFFFF800  }
0x102: {  	_ =	swait.ge [sflag:s12], $0x800  }
0x103: {  	[sflag:s12] =	ssyncset.done $0x0  }
0x104: {  	[sflag:s12] =	ssyncadd.s32 $0xFFFFF800  }
0x105: {  	_ =	swait.ge [sflag:s13], $0x800  }
0x106: {  	[sflag:s13] =	ssyncset.done $0x0  }
0x107: {  	[sflag:s13] =	ssyncadd.s32 $0xFFFFF800  }
0x108: {  	[bflag:$0x0] =	sbarrier.arrive $0xFFFF  }
0x109: {  	s9 =	simm.s32 @!p0 $0x1C0B;
	s7 =	sshrl.u32 @!p0 s1, $0x3;
	s10 =	rddreg [dreg:$0x8]  }
0x10a: {  	[hbm:s10], [sflag:s9] =	dma.local @!p0 [spmem:s7], $0x31000  }
0x10b: {  	s7 =	simm.s32 @!p0 $0xB  }
0x10c: {  	_ =	swait.ge @!p0 [sflag:s7], $0x31000  }
0x10d: {  	s2 =	sadd.s32 $0x1, s2;
	s22 =	rddreg [dreg:$0x9]  }
0x10e: {  	p1 =	sne.s32 s2, s22  }
.Ltmp3:
0x10f: {  	_ = 	snop;
	(pc) =	sbr.rel @p1 .LBB2_1-.Ltmp3, $3  }
0x110: {  	_ =	sdelay $0x1  }
0x111: {  	[sflag:s7] =	ssyncset.done @!p0 $0x0  }
0x112: {  	[sflag:s7] =	ssyncadd.s32 @!p0 $0xFFFCF000  }
0x113: {  	_ =	sfence.sel $0x180000  }
0x114: {  	[bflag:$0x0] =	sbarrier.arrive $0xFFFF  }
0x115: {  	_ =	strace $0x90000047  }
0x116: {  	[bflag:$0x2] =	sbarrier.arrive $0xFFFF  }
0x117: {  	s0 =	rddreg [dreg:$0x2]  }
0x118: {  	s0 =	sadd.s32 @!p0 $0x100000, s0  }
0x119: {  	[sflag:s0] =	ssyncadd.tile.s32 @!p0 $0x1;
	_ =	shalt  }
.Lfunc_end2:
_tile_overlayer_lowered:
.L_overlay_start_2:
0x11a: {  	(tag) =	ssettag $0x2  }
0x11b: {  	s0 =	rddreg [dreg:$0x0];
	s2 =	stileid.u32  }
0x11c: {  	s1 =	rddreg [dreg:$0x1];
	p0 =	sne.s32 s2, $0x0  }
0x11d: {  	s3 =	rddreg [dreg:$0x2];
	[bflag:$0x3] =	sbarrier.arrive $0xFFFF;
	s2 =	simm.s32 @!p0 $0x1C0B  }
0x11e: {  	[timem:s3], [sflag:s2] =	dma.local @!p0 [hbm:s0], s1  }
0x11f: {  	s0 =	simm.s32 @!p0 $0xB  }
0x120: {  	_ =	swait.ge @!p0 [sflag:s0], s1  }
0x121: {  	s1 =	ssub.s32 @!p0 $0x0, s1;
	[sflag:s0] =	ssyncset.done @!p0 $0x0  }
0x122: {  	[sflag:s0] =	ssyncadd.s32 @!p0 s1  }
0x123: {  	[bflag:$0x3] =	sbarrier.arrive $0xFFFF  }
0x124: {  	_ =	shalt  }

</sc_bundles>
